<compile_context>
chip_gen: v7x
topology: tpu7x:2x2x1
jax: 0.10.2.dev20260603
libtpu: 0.0.44.dev20260713+nightly
codegen_flags: <defaults>
</compile_context>

<pallas_src>
import functools

import jax
import jax.numpy as jnp
from jax import lax
from jax.experimental import pallas as pl
from jax.experimental.pallas import tpu as pltpu
from jax.experimental.pallas import tpu_sc as plsc

NSEG = 256


def _xstats_body(nn, x_ref, b_ref, cc_ref, x2_ref, sumx_ref, cnt_ref, c2_ref):
    i = pl.program_id(0)
    x = x_ref[...]
    bn = x.shape[0]
    x2_ref[...] = jnp.sum(x * x, axis=1, keepdims=True)
    cc = cc_ref[...]
    c2_ref[...] = jnp.sum(cc * cc, axis=1)[None, :]

    @pl.when(i == 0)
    def _():
        sumx_ref[...] = jnp.zeros_like(sumx_ref)
        cnt_ref[...] = jnp.zeros_like(cnt_ref)

    b2 = b_ref[0]
    seg = lax.broadcasted_iota(jnp.int32, (bn, NSEG), 1)
    mask_t = (b2 == seg).astype(jnp.float32)
    sumx_ref[...] += lax.dot_general(
        mask_t, x, (((0,), (0,)), ((), ())),
        preferred_element_type=jnp.float32)
    cnt_ref[...] += lax.dot_general(
        mask_t, jnp.ones((bn, 1), jnp.float32), (((0,), (0,)), ((), ())),
        preferred_element_type=jnp.float32)


def _xstats_call(x, batch, cc, bn, bk):
    n, d = x.shape
    k = cc.shape[0]
    nn = n // bn
    nk = k // bk
    b3 = batch.reshape(nn, bn, 1)
    return pl.pallas_call(
        functools.partial(_xstats_body, nn),
        grid=(nn,),
        in_specs=[
            pl.BlockSpec((bn, d), lambda i: (i, 0)),
            pl.BlockSpec((1, bn, 1), lambda i: (i, 0, 0)),
            pl.BlockSpec((bk, d), lambda i: (jnp.minimum(i, nk - 1), 0)),
        ],
        out_specs=[
            pl.BlockSpec((bn, 1), lambda i: (i, 0)),
            pl.BlockSpec((NSEG, d), lambda i: (0, 0)),
            pl.BlockSpec((NSEG, 1), lambda i: (0, 0)),
            pl.BlockSpec((1, bk), lambda i: (0, jnp.minimum(i, nk - 1))),
        ],
        out_shape=[
            jax.ShapeDtypeStruct((n, 1), jnp.float32),
            jax.ShapeDtypeStruct((NSEG, d), jnp.float32),
            jax.ShapeDtypeStruct((NSEG, 1), jnp.float32),
            jax.ShapeDtypeStruct((1, k), jnp.float32),
        ],
    )(x, b3, cc)


def _argmin_body(nk, bk, x_ref, cc_ref, x2_ref, c2_ref, idx_ref,
                 minval, minidx):
    j = pl.program_id(1)
    mm = lax.dot_general(x_ref[...], cc_ref[...], (((1,), (1,)), ((), ())),
                         preferred_element_type=jnp.float32)
    scores = x2_ref[...] + c2_ref[...] - 2.0 * mm
    bm = jnp.min(scores, axis=1, keepdims=True)
    col = lax.broadcasted_iota(jnp.int32, scores.shape, 1)
    bidx = jnp.min(jnp.where(scores == bm, col, jnp.int32(2 ** 30)),
                   axis=1, keepdims=True) + j * bk
    better = jnp.logical_or(j == 0, bm < minval[...])
    nv = jnp.where(better, bm, minval[...])
    ni = jnp.where(better, bidx, minidx[...])
    minval[...] = nv
    minidx[...] = ni
    idx_ref[0] = ni


def _argmin_call(x, cc, x2, c2, bn, bk):
    n, d = x.shape
    k = cc.shape[0]
    nn, nk = n // bn, k // bk
    return pl.pallas_call(
        functools.partial(_argmin_body, nk, bk),
        grid=(nn, nk),
        in_specs=[
            pl.BlockSpec((bn, d), lambda i, j: (i, 0)),
            pl.BlockSpec((bk, d), lambda i, j: (j, 0)),
            pl.BlockSpec((bn, 1), lambda i, j: (i, 0)),
            pl.BlockSpec((1, bk), lambda i, j: (0, j)),
        ],
        out_specs=pl.BlockSpec((1, bn, 1), lambda i, j: (i, 0, 0)),
        out_shape=jax.ShapeDtypeStruct((nn, bn, 1), jnp.int32),
        scratch_shapes=[
            pltpu.VMEM((bn, 1), jnp.float32),
            pltpu.VMEM((bn, 1), jnp.int32),
        ],
    )(x, cc, x2, c2)


def _sc_mesh():
    return plsc.VectorSubcoreMesh(core_axis_name="c", subcore_axis_name="s",
                                  num_cores=2, num_subcores=16)


def _sc_gather1(idx, t0):
    n = idx.shape[0]
    d = t0.shape[1]
    rw = 320
    ch = 80
    assert n == 31 * rw + ch and rw % ch == 0

    @functools.partial(
        pl.kernel, out_type=jax.ShapeDtypeStruct((n, d), jnp.float32),
        mesh=_sc_mesh(),
        scratch_types=[
            pltpu.VMEM((rw,), jnp.int32),
            pltpu.VMEM((ch, d), jnp.float32),
            pltpu.VMEM((ch, d), jnp.float32),
            pltpu.SemaphoreType.DMA,
            pltpu.SemaphoreType.DMA,
            pltpu.SemaphoreType.DMA,
            pltpu.SemaphoreType.DMA,
        ],
    )
    def k(idx_hbm, t0_hbm, o0_hbm, idx_v, r0, r1, sg0, sg1, st0, st1):
        wid = lax.axis_index("s") * 2 + lax.axis_index("c")
        base = wid * rw
        bufs = (r0, r1)
        sgs = (sg0, sg1)
        sts = (st0, st1)
        nch = rw // ch
        offs = [jnp.minimum(base + c * ch, n - ch) for c in range(nch)]
        pltpu.sync_copy(idx_hbm.at[pl.ds(jnp.minimum(base, n - rw), rw)], idx_v)
        gathers = []
        stores = []
        for c in range(nch):
            p = c % 2
            if c >= 2:
                stores[c - 2].wait()
            iv = idx_v.at[pl.ds(
                jnp.minimum(base + c * ch, n - ch) - jnp.minimum(base, n - rw),
                ch)]
            g = pltpu.make_async_copy(t0_hbm.at[iv], bufs[p], sgs[p])
            g.start()
            gathers.append(g)
            if c >= 1:
                gathers[c - 1].wait()
                s = pltpu.make_async_copy(bufs[(c - 1) % 2],
                                          o0_hbm.at[pl.ds(offs[c - 1], ch)],
                                          sts[(c - 1) % 2])
                s.start()
                stores.append(s)
        gathers[nch - 1].wait()
        s = pltpu.make_async_copy(bufs[(nch - 1) % 2],
                                  o0_hbm.at[pl.ds(offs[nch - 1], ch)],
                                  sts[(nch - 1) % 2])
        s.start()
        stores.append(s)
        stores[nch - 2].wait()
        stores[nch - 1].wait()

    return k(idx, t0)


def _sc_pbuild(idx, batch, nseg, k):
    n = idx.shape[0]
    nw = 32
    kw = k // nw
    cch = n
    nch = 1
    assert n % cch == 0 and cch % 16 == 0

    @functools.partial(
        pl.kernel,
        out_type=jax.ShapeDtypeStruct((nw, nseg, kw), jnp.float32),
        mesh=_sc_mesh(),
        compiler_params=pltpu.CompilerParams(needs_layout_passes=False),
        scratch_types=[
            pltpu.VMEM((cch,), jnp.int32),
            pltpu.VMEM((cch,), jnp.int32),
            pltpu.VMEM((nseg, kw), jnp.float32),
            pltpu.SemaphoreType.DMA,
            pltpu.SemaphoreType.DMA,
        ],
    )
    def kern(idx_hbm, bat_hbm, zero_hbm, pout_hbm, idx_v, bat_v, p_v, si, sb):
        wid = lax.axis_index("s") * 2 + lax.axis_index("c")
        kbase = wid * kw
        pltpu.sync_copy(zero_hbm, p_v)
        ones = jnp.ones((16,), jnp.float32)
        for c in range(nch):
            ci = pltpu.make_async_copy(idx_hbm.at[pl.ds(c * cch, cch)],
                                       idx_v, si)
            cb = pltpu.make_async_copy(bat_hbm.at[pl.ds(c * cch, cch)],
                                       bat_v, sb)
            ci.start(); cb.start(); ci.wait(); cb.wait()
            unroll = 5
            assert cch % (16 * unroll) == 0

            def body(g, carry):
                for u in range(unroll):
                    o = g * (16 * unroll) + u * 16
                    i16 = idx_v[pl.ds(o, 16)]
                    b16 = bat_v[pl.ds(o, 16)]
                    lk = i16 - kbase
                    m = jnp.logical_and(lk >= 0, lk < kw)
                    lkc = jnp.minimum(jnp.maximum(lk, 0), kw - 1)
                    plsc.addupdate_scatter(p_v, [b16, lkc], ones, mask=m)
                return carry

            lax.fori_loop(0, cch // (16 * unroll), body, 0)
        pltpu.sync_copy(p_v, pout_hbm.at[wid])

    return kern(idx, batch, jnp.zeros((nseg, kw), jnp.float32))


def _pool_body(nsteps, sub, kw, p_ref, causal_ref, counter_ref,
               sumx_ref, cnt_ref, w_ref, bias_ref,
               cpre_ref, kpre_ref, ypre_ref, pc_ref, px_ref,
               acc_c, acc_k):
    i = pl.program_id(0)

    @pl.when(i == 0)
    def _():
        acc_c[...] = jnp.zeros_like(acc_c)
        acc_k[...] = jnp.zeros_like(acc_k)

    dn = (((1,), (0,)), ((), ()))
    cb = causal_ref[...]
    kb = counter_ref[...]
    ac = acc_c[...]
    ak = acc_k[...]
    for s in range(sub):
        pblk = p_ref[s]
        ac = ac + lax.dot_general(pblk, cb[s * kw:(s + 1) * kw], dn,
                                  preferred_element_type=jnp.float32)
        ak = ak + lax.dot_general(pblk, kb[s * kw:(s + 1) * kw], dn,
                                  preferred_element_type=jnp.float32)
    acc_c[...] = ac
    acc_k[...] = ak

    @pl.when(i == nsteps - 1)
    def _():
        cnt = jnp.maximum(cnt_ref[...], 1.0)
        pooled_x = sumx_ref[...] / cnt
        pooled_c = pooled_x + acc_c[...] / cnt
        pooled_k = acc_k[...] / cnt
        w = w_ref[...]
        bias = bias_ref[...]
        dh = (((1,), (1,)), ((), ()))
        cpre_ref[...] = lax.dot_general(
            pooled_c, w, dh, preferred_element_type=jnp.float32) + bias
        kpre_ref[...] = lax.dot_general(
            pooled_k, w, dh, preferred_element_type=jnp.float32) + bias
        ypre_ref[...] = lax.dot_general(
            pooled_x, w, dh, preferred_element_type=jnp.float32) + bias
        pc_ref[...] = pooled_c
        px_ref[...] = pooled_x


def _pool_call(pmat, causal, counter, sumx, cnt, w, bias):
    nw, nseg, kw = pmat.shape
    d = causal.shape[1]
    t = w.shape[0]
    sub = 4
    nsteps = nw // sub
    whole = lambda shape: pl.BlockSpec(shape, lambda i: tuple(0 for _ in shape))
    return pl.pallas_call(
        functools.partial(_pool_body, nsteps, sub, kw),
        grid=(nsteps,),
        in_specs=[
            pl.BlockSpec((sub, nseg, kw), lambda i: (i, 0, 0)),
            pl.BlockSpec((sub * kw, d), lambda i: (i, 0)),
            pl.BlockSpec((sub * kw, d), lambda i: (i, 0)),
            whole((NSEG, d)),
            whole((NSEG, 1)),
            whole((t, d)),
            whole((1, t)),
        ],
        out_specs=[
            whole((NSEG, t)),
            whole((NSEG, t)),
            whole((NSEG, t)),
            whole((NSEG, d)),
            whole((NSEG, d)),
        ],
        out_shape=[
            jax.ShapeDtypeStruct((NSEG, t), jnp.float32),
            jax.ShapeDtypeStruct((NSEG, t), jnp.float32),
            jax.ShapeDtypeStruct((NSEG, t), jnp.float32),
            jax.ShapeDtypeStruct((NSEG, d), jnp.float32),
            jax.ShapeDtypeStruct((NSEG, d), jnp.float32),
        ],
        scratch_shapes=[
            pltpu.VMEM((NSEG, d), jnp.float32),
            pltpu.VMEM((NSEG, d), jnp.float32),
        ],
    )(pmat, causal, counter, sumx, cnt, w, bias)


def kernel(x, batch, codebook, causal_codebook, counter_codebook, W, b):
    n, d = x.shape
    batch = batch.astype(jnp.int32)
    bn = 1000
    bk = 1024

    x2, sumx, cnt, c2 = _xstats_call(x, batch, causal_codebook, bn, bk)
    idx3 = _argmin_call(x, causal_codebook, x2, c2, 2000, bk)
    idx = idx3.reshape(n)

    pmat = _sc_pbuild(idx, batch, NSEG, causal_codebook.shape[0])
    z_nodes = _sc_gather1(idx, codebook)

    causal_pre, counter_pre, y_pre, pooled_causal, pooled_x = _pool_call(
        pmat, causal_codebook, counter_codebook, sumx, cnt, W,
        b.reshape(1, -1))

    return (causal_pre, counter_pre, y_pre, z_nodes, pooled_causal, pooled_x)

# --- scband reference (transcript-rebuilt; emitter-appended) ---
"""Pipeline reference for scband-class-layer-25658134626613 (READ-ONLY COPY).

The authoritative reference and input builder live on the scoring server;
editing this copy changes nothing except your own understanding.
"""

import jax, jax.numpy as jnp
import numpy as np

NUM_SEGMENTS = 256

def global_mean_pool(x, batch, num_segments):
    s = jax.ops.segment_sum(x, batch, num_segments=num_segments)
    cnt = jax.ops.segment_sum(jnp.ones((x.shape[0], 1), x.dtype), batch, num_segments=num_segments)
    return s / jnp.clip(cnt, 1.0, None)

def setup_inputs(seed: int = 0) -> dict:
    key = jax.random.key(seed)
    ks = jax.random.split(key, 7)
    N, d, K, T = 10000, 512, 8192, 10
    x = jax.random.normal(ks[0], (N, d), dtype=jnp.float32)
    batch = jnp.sort(jax.random.randint(ks[1], (N,), 0, NUM_SEGMENTS, dtype=jnp.int64))
    codebook = jax.random.normal(ks[2], (K, d), dtype=jnp.float32)
    causal_codebook = jax.random.normal(ks[3], (K, d), dtype=jnp.float32)
    counter_codebook = jax.random.normal(ks[4], (K, d), dtype=jnp.float32)
    W = jax.random.normal(ks[5], (T, d), dtype=jnp.float32) * (1.0 / np.sqrt(d))
    b = jnp.zeros((T,), dtype=jnp.float32)
    return {"x": x, "batch": batch, "codebook": codebook, "causal_codebook": causal_codebook, "counter_codebook": counter_codebook, "W": W, "b": b}

def reference(x, batch, codebook, causal_codebook, counter_codebook, W, b):
    pooled_x = global_mean_pool(x, batch, NUM_SEGMENTS)
    # torch.cdist(x, causal_codebook) ** 2  (squared euclidean distances)
    x2 = jnp.sum(x * x, axis=1, keepdims=True)
    c2 = jnp.sum(causal_codebook * causal_codebook, axis=1)
    d2 = x2 + c2[None, :] - 2.0 * (x @ causal_codebook.T)
    indices = jnp.argmin(d2, axis=1)
    selected_causal_vectors = causal_codebook[indices]
    selected_counter_vectors = counter_codebook[indices]
    causal_output_nodes = x + selected_causal_vectors
    counter_output_nodes = selected_counter_vectors
    z_nodes = codebook[indices]
    pooled_causal = global_mean_pool(causal_output_nodes, batch, NUM_SEGMENTS)
    pooled_counter = global_mean_pool(counter_output_nodes, batch, NUM_SEGMENTS)
    causal_pre = pooled_causal @ W.T + b
    counter_pre = pooled_counter @ W.T + b
    Wd = jax.lax.stop_gradient(W)
    bd = jax.lax.stop_gradient(b)
    y_pre = pooled_x @ Wd.T + bd
    return (causal_pre, counter_pre, y_pre, z_nodes, pooled_causal, pooled_x)

if __name__ == "__main__":
    import jax
    _d = setup_inputs()
    print(jax.jit(kernel)(*tuple(_d.values())))

</pallas_src>

<mosaic_0001>
#map = affine_map<(d0, d1) -> (0)>
#map1 = affine_map<(d0, d1) -> (0, 0)>
module attributes {stable_mosaic.version = 14 : i64} {
  func.func @k(%arg0: i32, %arg1: i32, %arg2: memref<10000xi32, #tpu.memory_space<hbm>>, %arg3: memref<8192x512xf32, #tpu.memory_space<hbm>>, %arg4: memref<10000x512xf32, #tpu.memory_space<hbm>>, %arg5: memref<320xi32, #tpu.memory_space<vmem>>, %arg6: memref<80x512xf32, #tpu.memory_space<vmem>>, %arg7: memref<80x512xf32, #tpu.memory_space<vmem>>, %arg8: memref<!tpu.dma_semaphore, #tpu.memory_space<semaphore_mem>>, %arg9: memref<!tpu.dma_semaphore, #tpu.memory_space<semaphore_mem>>, %arg10: memref<!tpu.dma_semaphore, #tpu.memory_space<semaphore_mem>>, %arg11: memref<!tpu.dma_semaphore, #tpu.memory_space<semaphore_mem>>) attributes {dimension_semantics = [#tpu.dimension_semantics<core_parallel>, #tpu.dimension_semantics<subcore_parallel>], iteration_bounds = array<i64: 2, 16>, scalar_prefetch = 0 : i64, scratch_operands = 7 : i64, tpu.core_type = #tpu.core_type<sc_vector_subcore>, window_params = [{transform_indices = #map}, {transform_indices = #map1}, {transform_indices = #map1}]} {
    %mul3A = arith.constant 2 : i32
    %mul3A_0 = arith.muli %arg1, %mul3A : i32
    %add3A = arith.addi %mul3A_0, %arg0 : i32
    %mul3A_1 = arith.constant 320 : i32
    %mul3A_2 = arith.muli %add3A, %mul3A_1 : i32
    %add3A_3 = arith.constant 0 : i32
    %add3A_4 = arith.addi %mul3A_2, %add3A_3 : i32
    %min3A = arith.constant 9920 : i32
    %min3A_5 = arith.minsi %add3A_4, %min3A : i32
    %add3A_6 = arith.constant 80 : i32
    %add3A_7 = arith.addi %mul3A_2, %add3A_6 : i32
    %min3A_8 = arith.constant 9920 : i32
    %min3A_9 = arith.minsi %add3A_7, %min3A_8 : i32
    %add3A_10 = arith.constant 160 : i32
    %add3A_11 = arith.addi %mul3A_2, %add3A_10 : i32
    %min3A_12 = arith.constant 9920 : i32
    %min3A_13 = arith.minsi %add3A_11, %min3A_12 : i32
    %add3A_14 = arith.constant 240 : i32
    %add3A_15 = arith.addi %mul3A_2, %add3A_14 : i32
    %min3A_16 = arith.constant 9920 : i32
    %min3A_17 = arith.minsi %add3A_15, %min3A_16 : i32
    %min3A_18 = arith.constant 9680 : i32
    %min3A_19 = arith.minsi %mul3A_2, %min3A_18 : i32
    "tpu.region"() ({
      %run_scoped3A = tpu.sem_alloc : memref<!tpu.dma_semaphore, #tpu.memory_space<semaphore_mem>>
      %dma_start3A_109 = tpu.memref_slice %arg2[%min3A_19] : memref<10000xi32, #tpu.memory_space<hbm>> -> memref<320xi32, #tpu.memory_space<hbm>>
      %dma_start3A_110 = tpu.memref_slice %arg2[%min3A_19] : memref<10000xi32, #tpu.memory_space<hbm>> -> memref<320xi32, #tpu.memory_space<hbm>>
      tpu.enqueue_dma source(%dma_start3A_110 : memref<320xi32, #tpu.memory_space<hbm>>) target(%arg5 : memref<320xi32, #tpu.memory_space<vmem>>) target_semaphore(%run_scoped3A : memref<!tpu.dma_semaphore, #tpu.memory_space<semaphore_mem>>)
      %dma_wait3A_111 = tpu.memref_slice %arg2[%min3A_19] : memref<10000xi32, #tpu.memory_space<hbm>> -> memref<320xi32, #tpu.memory_space<hbm>>
      %dma_wait3A_112 = tpu.memref_slice %arg2[%min3A_19] : memref<10000xi32, #tpu.memory_space<hbm>> -> memref<320xi32, #tpu.memory_space<hbm>>
      tpu.wait_dma2 semaphore(%run_scoped3A : memref<!tpu.dma_semaphore, #tpu.memory_space<semaphore_mem>>) src(%dma_wait3A_112 : memref<320xi32, #tpu.memory_space<hbm>>) dst(%arg5 : memref<320xi32, #tpu.memory_space<vmem>>)
      tpu.yield
    }) : () -> ()
    %add3A_20 = arith.constant 0 : i32
    %add3A_21 = arith.addi %mul3A_2, %add3A_20 : i32
    %min3A_22 = arith.constant 9920 : i32
    %min3A_23 = arith.minsi %add3A_21, %min3A_22 : i32
    %min3A_24 = arith.constant 9680 : i32
    %min3A_25 = arith.minsi %mul3A_2, %min3A_24 : i32
    %sub3A = arith.subi %min3A_23, %min3A_25 : i32
    %dma_start3A = tpu.memref_slice %arg5[%sub3A] : memref<320xi32, #tpu.memory_space<vmem>> -> memref<80xi32, #tpu.memory_space<vmem>>
    %dma_start3A_26 = arith.constant 0 : i32
    %dma_start3A_27 = arith.constant 0 : i32
    %dma_start3A_28 = tpu.memref_slice %arg3[%dma_start3A_26, %dma_start3A_27] : memref<8192x512xf32, #tpu.memory_space<hbm>> -> memref<8192x512xf32, #tpu.memory_space<hbm>>
    tpu.enqueue_indirect_dma source(%dma_start3A_28 : memref<8192x512xf32, #tpu.memory_space<hbm>>) target(%arg6 : memref<80x512xf32, #tpu.memory_space<vmem>>) offsets(%dma_start3A : memref<80xi32, #tpu.memory_space<vmem>>) semaphore(%arg8 : memref<!tpu.dma_semaphore, #tpu.memory_space<semaphore_mem>>)
    %add3A_29 = arith.constant 80 : i32
    %add3A_30 = arith.addi %mul3A_2, %add3A_29 : i32
    %min3A_31 = arith.constant 9920 : i32
    %min3A_32 = arith.minsi %add3A_30, %min3A_31 : i32
    %min3A_33 = arith.constant 9680 : i32
    %min3A_34 = arith.minsi %mul3A_2, %min3A_33 : i32
    %sub3A_35 = arith.subi %min3A_32, %min3A_34 : i32
    %dma_start3A_36 = tpu.memref_slice %arg5[%sub3A_35] : memref<320xi32, #tpu.memory_space<vmem>> -> memref<80xi32, #tpu.memory_space<vmem>>
    %dma_start3A_37 = arith.constant 0 : i32
    %dma_start3A_38 = arith.constant 0 : i32
    %dma_start3A_39 = tpu.memref_slice %arg3[%dma_start3A_37, %dma_start3A_38] : memref<8192x512xf32, #tpu.memory_space<hbm>> -> memref<8192x512xf32, #tpu.memory_space<hbm>>
    tpu.enqueue_indirect_dma source(%dma_start3A_39 : memref<8192x512xf32, #tpu.memory_space<hbm>>) target(%arg7 : memref<80x512xf32, #tpu.memory_space<vmem>>) offsets(%dma_start3A_36 : memref<80xi32, #tpu.memory_space<vmem>>) semaphore(%arg9 : memref<!tpu.dma_semaphore, #tpu.memory_space<semaphore_mem>>)
    %dma_wait3A = tpu.memref_slice %arg5[%sub3A] : memref<320xi32, #tpu.memory_space<vmem>> -> memref<80xi32, #tpu.memory_space<vmem>>
    %dma_wait3A_40 = arith.constant 0 : i32
    %dma_wait3A_41 = arith.constant 0 : i32
    %dma_wait3A_42 = tpu.memref_slice %arg3[%dma_wait3A_40, %dma_wait3A_41] : memref<8192x512xf32, #tpu.memory_space<hbm>> -> memref<8192x512xf32, #tpu.memory_space<hbm>>
    tpu.wait_indirect_dma semaphore(%arg8 : memref<!tpu.dma_semaphore, #tpu.memory_space<semaphore_mem>>) src(%dma_wait3A_42 : memref<8192x512xf32, #tpu.memory_space<hbm>>) dst(%arg6 : memref<80x512xf32, #tpu.memory_space<vmem>>)
    %dma_start3A_43 = arith.constant 0 : i32
    %dma_start3A_44 = tpu.memref_slice %arg4[%min3A_5, %dma_start3A_43] : memref<10000x512xf32, #tpu.memory_space<hbm>> -> memref<80x512xf32, #tpu.memory_space<hbm>>
    %dma_start3A_45 = arith.constant 0 : i32
    %dma_start3A_46 = tpu.memref_slice %arg4[%min3A_5, %dma_start3A_45] : memref<10000x512xf32, #tpu.memory_space<hbm>> -> memref<80x512xf32, #tpu.memory_space<hbm>>
    tpu.enqueue_dma source(%arg6 : memref<80x512xf32, #tpu.memory_space<vmem>>) target(%dma_start3A_46 : memref<80x512xf32, #tpu.memory_space<hbm>>) target_semaphore(%arg10 : memref<!tpu.dma_semaphore, #tpu.memory_space<semaphore_mem>>)
    %dma_wait3A_47 = arith.constant 0 : i32
    %dma_wait3A_48 = tpu.memref_slice %arg4[%min3A_5, %dma_wait3A_47] : memref<10000x512xf32, #tpu.memory_space<hbm>> -> memref<80x512xf32, #tpu.memory_space<hbm>>
    %dma_wait3A_49 = arith.constant 0 : i32
    %dma_wait3A_50 = tpu.memref_slice %arg4[%min3A_5, %dma_wait3A_49] : memref<10000x512xf32, #tpu.memory_space<hbm>> -> memref<80x512xf32, #tpu.memory_space<hbm>>
    tpu.wait_dma2 semaphore(%arg10 : memref<!tpu.dma_semaphore, #tpu.memory_space<semaphore_mem>>) src(%arg6 : memref<80x512xf32, #tpu.memory_space<vmem>>) dst(%dma_wait3A_50 : memref<80x512xf32, #tpu.memory_space<hbm>>)
    %add3A_51 = arith.constant 160 : i32
    %add3A_52 = arith.addi %mul3A_2, %add3A_51 : i32
    %min3A_53 = arith.constant 9920 : i32
    %min3A_54 = arith.minsi %add3A_52, %min3A_53 : i32
    %min3A_55 = arith.constant 9680 : i32
    %min3A_56 = arith.minsi %mul3A_2, %min3A_55 : i32
    %sub3A_57 = arith.subi %min3A_54, %min3A_56 : i32
    %dma_start3A_58 = tpu.memref_slice %arg5[%sub3A_57] : memref<320xi32, #tpu.memory_space<vmem>> -> memref<80xi32, #tpu.memory_space<vmem>>
    %dma_start3A_59 = arith.constant 0 : i32
    %dma_start3A_60 = arith.constant 0 : i32
    %dma_start3A_61 = tpu.memref_slice %arg3[%dma_start3A_59, %dma_start3A_60] : memref<8192x512xf32, #tpu.memory_space<hbm>> -> memref<8192x512xf32, #tpu.memory_space<hbm>>
    tpu.enqueue_indirect_dma source(%dma_start3A_61 : memref<8192x512xf32, #tpu.memory_space<hbm>>) target(%arg6 : memref<80x512xf32, #tpu.memory_space<vmem>>) offsets(%dma_start3A_58 : memref<80xi32, #tpu.memory_space<vmem>>) semaphore(%arg8 : memref<!tpu.dma_semaphore, #tpu.memory_space<semaphore_mem>>)
    %dma_wait3A_62 = tpu.memref_slice %arg5[%sub3A_35] : memref<320xi32, #tpu.memory_space<vmem>> -> memref<80xi32, #tpu.memory_space<vmem>>
    %dma_wait3A_63 = arith.constant 0 : i32
    %dma_wait3A_64 = arith.constant 0 : i32
    %dma_wait3A_65 = tpu.memref_slice %arg3[%dma_wait3A_63, %dma_wait3A_64] : memref<8192x512xf32, #tpu.memory_space<hbm>> -> memref<8192x512xf32, #tpu.memory_space<hbm>>
    tpu.wait_indirect_dma semaphore(%arg9 : memref<!tpu.dma_semaphore, #tpu.memory_space<semaphore_mem>>) src(%dma_wait3A_65 : memref<8192x512xf32, #tpu.memory_space<hbm>>) dst(%arg7 : memref<80x512xf32, #tpu.memory_space<vmem>>)
    %dma_start3A_66 = arith.constant 0 : i32
    %dma_start3A_67 = tpu.memref_slice %arg4[%min3A_9, %dma_start3A_66] : memref<10000x512xf32, #tpu.memory_space<hbm>> -> memref<80x512xf32, #tpu.memory_space<hbm>>
    %dma_start3A_68 = arith.constant 0 : i32
    %dma_start3A_69 = tpu.memref_slice %arg4[%min3A_9, %dma_start3A_68] : memref<10000x512xf32, #tpu.memory_space<hbm>> -> memref<80x512xf32, #tpu.memory_space<hbm>>
    tpu.enqueue_dma source(%arg7 : memref<80x512xf32, #tpu.memory_space<vmem>>) target(%dma_start3A_69 : memref<80x512xf32, #tpu.memory_space<hbm>>) target_semaphore(%arg11 : memref<!tpu.dma_semaphore, #tpu.memory_space<semaphore_mem>>)
    %dma_wait3A_70 = arith.constant 0 : i32
    %dma_wait3A_71 = tpu.memref_slice %arg4[%min3A_9, %dma_wait3A_70] : memref<10000x512xf32, #tpu.memory_space<hbm>> -> memref<80x512xf32, #tpu.memory_space<hbm>>
    %dma_wait3A_72 = arith.constant 0 : i32
    %dma_wait3A_73 = tpu.memref_slice %arg4[%min3A_9, %dma_wait3A_72] : memref<10000x512xf32, #tpu.memory_space<hbm>> -> memref<80x512xf32, #tpu.memory_space<hbm>>
    tpu.wait_dma2 semaphore(%arg11 : memref<!tpu.dma_semaphore, #tpu.memory_space<semaphore_mem>>) src(%arg7 : memref<80x512xf32, #tpu.memory_space<vmem>>) dst(%dma_wait3A_73 : memref<80x512xf32, #tpu.memory_space<hbm>>)
    %add3A_74 = arith.constant 240 : i32
    %add3A_75 = arith.addi %mul3A_2, %add3A_74 : i32
    %min3A_76 = arith.constant 9920 : i32
    %min3A_77 = arith.minsi %add3A_75, %min3A_76 : i32
    %min3A_78 = arith.constant 9680 : i32
    %min3A_79 = arith.minsi %mul3A_2, %min3A_78 : i32
    %sub3A_80 = arith.subi %min3A_77, %min3A_79 : i32
    %dma_start3A_81 = tpu.memref_slice %arg5[%sub3A_80] : memref<320xi32, #tpu.memory_space<vmem>> -> memref<80xi32, #tpu.memory_space<vmem>>
    %dma_start3A_82 = arith.constant 0 : i32
    %dma_start3A_83 = arith.constant 0 : i32
    %dma_start3A_84 = tpu.memref_slice %arg3[%dma_start3A_82, %dma_start3A_83] : memref<8192x512xf32, #tpu.memory_space<hbm>> -> memref<8192x512xf32, #tpu.memory_space<hbm>>
    tpu.enqueue_indirect_dma source(%dma_start3A_84 : memref<8192x512xf32, #tpu.memory_space<hbm>>) target(%arg7 : memref<80x512xf32, #tpu.memory_space<vmem>>) offsets(%dma_start3A_81 : memref<80xi32, #tpu.memory_space<vmem>>) semaphore(%arg9 : memref<!tpu.dma_semaphore, #tpu.memory_space<semaphore_mem>>)
    %dma_wait3A_85 = tpu.memref_slice %arg5[%sub3A_57] : memref<320xi32, #tpu.memory_space<vmem>> -> memref<80xi32, #tpu.memory_space<vmem>>
    %dma_wait3A_86 = arith.constant 0 : i32
    %dma_wait3A_87 = arith.constant 0 : i32
    %dma_wait3A_88 = tpu.memref_slice %arg3[%dma_wait3A_86, %dma_wait3A_87] : memref<8192x512xf32, #tpu.memory_space<hbm>> -> memref<8192x512xf32, #tpu.memory_space<hbm>>
    tpu.wait_indirect_dma semaphore(%arg8 : memref<!tpu.dma_semaphore, #tpu.memory_space<semaphore_mem>>) src(%dma_wait3A_88 : memref<8192x512xf32, #tpu.memory_space<hbm>>) dst(%arg6 : memref<80x512xf32, #tpu.memory_space<vmem>>)
    %dma_start3A_89 = arith.constant 0 : i32
    %dma_start3A_90 = tpu.memref_slice %arg4[%min3A_13, %dma_start3A_89] : memref<10000x512xf32, #tpu.memory_space<hbm>> -> memref<80x512xf32, #tpu.memory_space<hbm>>
    %dma_start3A_91 = arith.constant 0 : i32
    %dma_start3A_92 = tpu.memref_slice %arg4[%min3A_13, %dma_start3A_91] : memref<10000x512xf32, #tpu.memory_space<hbm>> -> memref<80x512xf32, #tpu.memory_space<hbm>>
    tpu.enqueue_dma source(%arg6 : memref<80x512xf32, #tpu.memory_space<vmem>>) target(%dma_start3A_92 : memref<80x512xf32, #tpu.memory_space<hbm>>) target_semaphore(%arg10 : memref<!tpu.dma_semaphore, #tpu.memory_space<semaphore_mem>>)
    %dma_wait3A_93 = tpu.memref_slice %arg5[%sub3A_80] : memref<320xi32, #tpu.memory_space<vmem>> -> memref<80xi32, #tpu.memory_space<vmem>>
    %dma_wait3A_94 = arith.constant 0 : i32
    %dma_wait3A_95 = arith.constant 0 : i32
    %dma_wait3A_96 = tpu.memref_slice %arg3[%dma_wait3A_94, %dma_wait3A_95] : memref<8192x512xf32, #tpu.memory_space<hbm>> -> memref<8192x512xf32, #tpu.memory_space<hbm>>
    tpu.wait_indirect_dma semaphore(%arg9 : memref<!tpu.dma_semaphore, #tpu.memory_space<semaphore_mem>>) src(%dma_wait3A_96 : memref<8192x512xf32, #tpu.memory_space<hbm>>) dst(%arg7 : memref<80x512xf32, #tpu.memory_space<vmem>>)
    %dma_start3A_97 = arith.constant 0 : i32
    %dma_start3A_98 = tpu.memref_slice %arg4[%min3A_17, %dma_start3A_97] : memref<10000x512xf32, #tpu.memory_space<hbm>> -> memref<80x512xf32, #tpu.memory_space<hbm>>
    %dma_start3A_99 = arith.constant 0 : i32
    %dma_start3A_100 = tpu.memref_slice %arg4[%min3A_17, %dma_start3A_99] : memref<10000x512xf32, #tpu.memory_space<hbm>> -> memref<80x512xf32, #tpu.memory_space<hbm>>
    tpu.enqueue_dma source(%arg7 : memref<80x512xf32, #tpu.memory_space<vmem>>) target(%dma_start3A_100 : memref<80x512xf32, #tpu.memory_space<hbm>>) target_semaphore(%arg11 : memref<!tpu.dma_semaphore, #tpu.memory_space<semaphore_mem>>)
    %dma_wait3A_101 = arith.constant 0 : i32
    %dma_wait3A_102 = tpu.memref_slice %arg4[%min3A_13, %dma_wait3A_101] : memref<10000x512xf32, #tpu.memory_space<hbm>> -> memref<80x512xf32, #tpu.memory_space<hbm>>
    %dma_wait3A_103 = arith.constant 0 : i32
    %dma_wait3A_104 = tpu.memref_slice %arg4[%min3A_13, %dma_wait3A_103] : memref<10000x512xf32, #tpu.memory_space<hbm>> -> memref<80x512xf32, #tpu.memory_space<hbm>>
    tpu.wait_dma2 semaphore(%arg10 : memref<!tpu.dma_semaphore, #tpu.memory_space<semaphore_mem>>) src(%arg6 : memref<80x512xf32, #tpu.memory_space<vmem>>) dst(%dma_wait3A_104 : memref<80x512xf32, #tpu.memory_space<hbm>>)
    %dma_wait3A_105 = arith.constant 0 : i32
    %dma_wait3A_106 = tpu.memref_slice %arg4[%min3A_17, %dma_wait3A_105] : memref<10000x512xf32, #tpu.memory_space<hbm>> -> memref<80x512xf32, #tpu.memory_space<hbm>>
    %dma_wait3A_107 = arith.constant 0 : i32
    %dma_wait3A_108 = tpu.memref_slice %arg4[%min3A_17, %dma_wait3A_107] : memref<10000x512xf32, #tpu.memory_space<hbm>> -> memref<80x512xf32, #tpu.memory_space<hbm>>
    tpu.wait_dma2 semaphore(%arg11 : memref<!tpu.dma_semaphore, #tpu.memory_space<semaphore_mem>>) src(%arg7 : memref<80x512xf32, #tpu.memory_space<vmem>>) dst(%dma_wait3A_108 : memref<80x512xf32, #tpu.memory_space<hbm>>)
    return
  }
}

#map = affine_map<(d0, d1) -> (0)>
#map1 = affine_map<(d0, d1) -> (0, 0)>
#map2 = affine_map<(d0, d1) -> (0, 0, 0)>
module attributes {stable_mosaic.version = 14 : i64} {
  func.func @kern(%arg0: i32, %arg1: i32, %arg2: memref<10000xi32, #tpu.memory_space<hbm>>, %arg3: memref<10000xi32, #tpu.memory_space<hbm>>, %arg4: memref<256x256xf32, #tpu.memory_space<hbm>>, %arg5: memref<32x256x256xf32, #tpu.memory_space<hbm>>, %arg6: memref<10000xi32, #tpu.memory_space<vmem>>, %arg7: memref<10000xi32, #tpu.memory_space<vmem>>, %arg8: memref<256x256xf32, #tpu.memory_space<vmem>>, %arg9: memref<!tpu.dma_semaphore, #tpu.memory_space<semaphore_mem>>, %arg10: memref<!tpu.dma_semaphore, #tpu.memory_space<semaphore_mem>>) attributes {dimension_semantics = [#tpu.dimension_semantics<core_parallel>, #tpu.dimension_semantics<subcore_parallel>], iteration_bounds = array<i64: 2, 16>, scalar_prefetch = 0 : i64, scratch_operands = 5 : i64, tpu.core_type = #tpu.core_type<sc_vector_subcore>, window_params = [{transform_indices = #map}, {transform_indices = #map}, {transform_indices = #map1}, {transform_indices = #map2}]} {
    %mul3A = arith.constant 2 : i32
    %mul3A_0 = arith.muli %arg1, %mul3A : i32
    %add3A = arith.addi %mul3A_0, %arg0 : i32
    %mul3A_1 = arith.constant 256 : i32
    %mul3A_2 = arith.muli %add3A, %mul3A_1 : i32
    "tpu.region"() ({
      %run_scoped3A = tpu.sem_alloc : memref<!tpu.dma_semaphore, #tpu.memory_space<semaphore_mem>>
      tpu.enqueue_dma source(%arg4 : memref<256x256xf32, #tpu.memory_space<hbm>>) target(%arg8 : memref<256x256xf32, #tpu.memory_space<vmem>>) target_semaphore(%run_scoped3A : memref<!tpu.dma_semaphore, #tpu.memory_space<semaphore_mem>>)
      tpu.wait_dma2 semaphore(%run_scoped3A : memref<!tpu.dma_semaphore, #tpu.memory_space<semaphore_mem>>) src(%arg4 : memref<256x256xf32, #tpu.memory_space<hbm>>) dst(%arg8 : memref<256x256xf32, #tpu.memory_space<vmem>>)
      tpu.yield
    }) : () -> ()
    %broadcast_in_dim3A = arith.constant 1.000000e+00 : f32
    %broadcast_in_dim3A_3 = vector.broadcast %broadcast_in_dim3A : f32 to vector<16xf32>
    %dma_start3A = arith.constant 0 : i32
    %dma_start3A_4 = tpu.memref_slice %arg2[%dma_start3A] : memref<10000xi32, #tpu.memory_space<hbm>> -> memref<10000xi32, #tpu.memory_space<hbm>>
    %dma_start3A_5 = arith.constant 0 : i32
    %dma_start3A_6 = tpu.memref_slice %arg2[%dma_start3A_5] : memref<10000xi32, #tpu.memory_space<hbm>> -> memref<10000xi32, #tpu.memory_space<hbm>>
    tpu.enqueue_dma source(%dma_start3A_6 : memref<10000xi32, #tpu.memory_space<hbm>>) target(%arg6 : memref<10000xi32, #tpu.memory_space<vmem>>) target_semaphore(%arg9 : memref<!tpu.dma_semaphore, #tpu.memory_space<semaphore_mem>>)
    %dma_start3A_7 = arith.constant 0 : i32
    %dma_start3A_8 = tpu.memref_slice %arg3[%dma_start3A_7] : memref<10000xi32, #tpu.memory_space<hbm>> -> memref<10000xi32, #tpu.memory_space<hbm>>
    %dma_start3A_9 = arith.constant 0 : i32
    %dma_start3A_10 = tpu.memref_slice %arg3[%dma_start3A_9] : memref<10000xi32, #tpu.memory_space<hbm>> -> memref<10000xi32, #tpu.memory_space<hbm>>
    tpu.enqueue_dma source(%dma_start3A_10 : memref<10000xi32, #tpu.memory_space<hbm>>) target(%arg7 : memref<10000xi32, #tpu.memory_space<vmem>>) target_semaphore(%arg10 : memref<!tpu.dma_semaphore, #tpu.memory_space<semaphore_mem>>)
    %dma_wait3A = arith.constant 0 : i32
    %dma_wait3A_11 = tpu.memref_slice %arg2[%dma_wait3A] : memref<10000xi32, #tpu.memory_space<hbm>> -> memref<10000xi32, #tpu.memory_space<hbm>>
    %dma_wait3A_12 = arith.constant 0 : i32
    %dma_wait3A_13 = tpu.memref_slice %arg2[%dma_wait3A_12] : memref<10000xi32, #tpu.memory_space<hbm>> -> memref<10000xi32, #tpu.memory_space<hbm>>
    tpu.wait_dma2 semaphore(%arg9 : memref<!tpu.dma_semaphore, #tpu.memory_space<semaphore_mem>>) src(%dma_wait3A_13 : memref<10000xi32, #tpu.memory_space<hbm>>) dst(%arg6 : memref<10000xi32, #tpu.memory_space<vmem>>)
    %dma_wait3A_14 = arith.constant 0 : i32
    %dma_wait3A_15 = tpu.memref_slice %arg3[%dma_wait3A_14] : memref<10000xi32, #tpu.memory_space<hbm>> -> memref<10000xi32, #tpu.memory_space<hbm>>
    %dma_wait3A_16 = arith.constant 0 : i32
    %dma_wait3A_17 = tpu.memref_slice %arg3[%dma_wait3A_16] : memref<10000xi32, #tpu.memory_space<hbm>> -> memref<10000xi32, #tpu.memory_space<hbm>>
    tpu.wait_dma2 semaphore(%arg10 : memref<!tpu.dma_semaphore, #tpu.memory_space<semaphore_mem>>) src(%dma_wait3A_17 : memref<10000xi32, #tpu.memory_space<hbm>>) dst(%arg7 : memref<10000xi32, #tpu.memory_space<vmem>>)
    %scan3A = arith.constant 0 : i32
    %scan3A_18 = arith.constant 0 : i32
    %scan3A_19 = arith.constant 125 : i32
    %scan3A_20 = arith.addi %scan3A_18, %scan3A_19 : i32
    %scan3A_21 = arith.constant 1 : i32
    scf.for %scan3A_23 = %scan3A_18 to %scan3A_20 step %scan3A_21  : i32 {
      %mul3A_24 = arith.constant 80 : i32
      %mul3A_25 = arith.muli %scan3A_23, %mul3A_24 : i32
      %add3A_26 = arith.constant 0 : i32
      %add3A_27 = arith.addi %mul3A_25, %add3A_26 : i32
      %get3A = arith.index_cast %add3A_27 : i32 to index
      %get3A_28 = tpu.vector_load %arg6[%get3A] {strides = array<i32>} : memref<10000xi32, #tpu.memory_space<vmem>>, vector<16xi32>,
      %get3A_29 = arith.index_cast %add3A_27 : i32 to index
      %get3A_30 = tpu.vector_load %arg7[%get3A_29] {strides = array<i32>} : memref<10000xi32, #tpu.memory_space<vmem>>, vector<16xi32>,
      %sub3A = vector.broadcast %mul3A_2 : i32 to vector<16xi32>
      %sub3A_31 = arith.subi %get3A_28, %sub3A : vector<16xi32>
      %ge3A = arith.constant 0 : i32
      %ge3A_32 = vector.broadcast %ge3A : i32 to vector<16xi32>
      %ge3A_33 = arith.cmpi sge, %sub3A_31, %ge3A_32 : vector<16xi32>
      %lt3A = arith.constant 256 : i32
      %lt3A_34 = vector.broadcast %lt3A : i32 to vector<16xi32>
      %lt3A_35 = arith.cmpi slt, %sub3A_31, %lt3A_34 : vector<16xi32>
      %and3A = arith.andi %ge3A_33, %lt3A_35 : vector<16xi1>
      %max3A = arith.constant 0 : i32
      %max3A_36 = vector.broadcast %max3A : i32 to vector<16xi32>
      %max3A_37 = arith.maxsi %sub3A_31, %max3A_36 : vector<16xi32>
      %min3A = arith.constant 255 : i32
      %min3A_38 = vector.broadcast %min3A : i32 to vector<16xi32>
      %min3A_39 = arith.minsi %max3A_37, %min3A_38 : vector<16xi32>
      tpu.vector_store_idx %arg8[%get3A_30, %min3A_39], %broadcast_in_dim3A_3 masked %and3A {add = true} : memref<256x256xf32, #tpu.memory_space<vmem>>[vector<16xi32>, vector<16xi32>], vector<16xf32>, vector<16xi1>
      %mul3A_40 = arith.constant 80 : i32
      %mul3A_41 = arith.muli %scan3A_23, %mul3A_40 : i32
      %add3A_42 = arith.constant 16 : i32
      %add3A_43 = arith.addi %mul3A_41, %add3A_42 : i32
      %get3A_44 = arith.index_cast %add3A_43 : i32 to index
      %get3A_45 = tpu.vector_load %arg6[%get3A_44] {strides = array<i32>} : memref<10000xi32, #tpu.memory_space<vmem>>, vector<16xi32>,
      %get3A_46 = arith.index_cast %add3A_43 : i32 to index
      %get3A_47 = tpu.vector_load %arg7[%get3A_46] {strides = array<i32>} : memref<10000xi32, #tpu.memory_space<vmem>>, vector<16xi32>,
      %sub3A_48 = vector.broadcast %mul3A_2 : i32 to vector<16xi32>
      %sub3A_49 = arith.subi %get3A_45, %sub3A_48 : vector<16xi32>
      %ge3A_50 = arith.constant 0 : i32
      %ge3A_51 = vector.broadcast %ge3A_50 : i32 to vector<16xi32>
      %ge3A_52 = arith.cmpi sge, %sub3A_49, %ge3A_51 : vector<16xi32>
      %lt3A_53 = arith.constant 256 : i32
      %lt3A_54 = vector.broadcast %lt3A_53 : i32 to vector<16xi32>
      %lt3A_55 = arith.cmpi slt, %sub3A_49, %lt3A_54 : vector<16xi32>
      %and3A_56 = arith.andi %ge3A_52, %lt3A_55 : vector<16xi1>
      %max3A_57 = arith.constant 0 : i32
      %max3A_58 = vector.broadcast %max3A_57 : i32 to vector<16xi32>
      %max3A_59 = arith.maxsi %sub3A_49, %max3A_58 : vector<16xi32>
      %min3A_60 = arith.constant 255 : i32
      %min3A_61 = vector.broadcast %min3A_60 : i32 to vector<16xi32>
      %min3A_62 = arith.minsi %max3A_59, %min3A_61 : vector<16xi32>
      tpu.vector_store_idx %arg8[%get3A_47, %min3A_62], %broadcast_in_dim3A_3 masked %and3A_56 {add = true} : memref<256x256xf32, #tpu.memory_space<vmem>>[vector<16xi32>, vector<16xi32>], vector<16xf32>, vector<16xi1>
      %mul3A_63 = arith.constant 80 : i32
      %mul3A_64 = arith.muli %scan3A_23, %mul3A_63 : i32
      %add3A_65 = arith.constant 32 : i32
      %add3A_66 = arith.addi %mul3A_64, %add3A_65 : i32
      %get3A_67 = arith.index_cast %add3A_66 : i32 to index
      %get3A_68 = tpu.vector_load %arg6[%get3A_67] {strides = array<i32>} : memref<10000xi32, #tpu.memory_space<vmem>>, vector<16xi32>,
      %get3A_69 = arith.index_cast %add3A_66 : i32 to index
      %get3A_70 = tpu.vector_load %arg7[%get3A_69] {strides = array<i32>} : memref<10000xi32, #tpu.memory_space<vmem>>, vector<16xi32>,
      %sub3A_71 = vector.broadcast %mul3A_2 : i32 to vector<16xi32>
      %sub3A_72 = arith.subi %get3A_68, %sub3A_71 : vector<16xi32>
      %ge3A_73 = arith.constant 0 : i32
      %ge3A_74 = vector.broadcast %ge3A_73 : i32 to vector<16xi32>
      %ge3A_75 = arith.cmpi sge, %sub3A_72, %ge3A_74 : vector<16xi32>
      %lt3A_76 = arith.constant 256 : i32
      %lt3A_77 = vector.broadcast %lt3A_76 : i32 to vector<16xi32>
      %lt3A_78 = arith.cmpi slt, %sub3A_72, %lt3A_77 : vector<16xi32>
      %and3A_79 = arith.andi %ge3A_75, %lt3A_78 : vector<16xi1>
      %max3A_80 = arith.constant 0 : i32
      %max3A_81 = vector.broadcast %max3A_80 : i32 to vector<16xi32>
      %max3A_82 = arith.maxsi %sub3A_72, %max3A_81 : vector<16xi32>
      %min3A_83 = arith.constant 255 : i32
      %min3A_84 = vector.broadcast %min3A_83 : i32 to vector<16xi32>
      %min3A_85 = arith.minsi %max3A_82, %min3A_84 : vector<16xi32>
      tpu.vector_store_idx %arg8[%get3A_70, %min3A_85], %broadcast_in_dim3A_3 masked %and3A_79 {add = true} : memref<256x256xf32, #tpu.memory_space<vmem>>[vector<16xi32>, vector<16xi32>], vector<16xf32>, vector<16xi1>
      %mul3A_86 = arith.constant 80 : i32
      %mul3A_87 = arith.muli %scan3A_23, %mul3A_86 : i32
      %add3A_88 = arith.constant 48 : i32
      %add3A_89 = arith.addi %mul3A_87, %add3A_88 : i32
      %get3A_90 = arith.index_cast %add3A_89 : i32 to index
      %get3A_91 = tpu.vector_load %arg6[%get3A_90] {strides = array<i32>} : memref<10000xi32, #tpu.memory_space<vmem>>, vector<16xi32>,
      %get3A_92 = arith.index_cast %add3A_89 : i32 to index
      %get3A_93 = tpu.vector_load %arg7[%get3A_92] {strides = array<i32>} : memref<10000xi32, #tpu.memory_space<vmem>>, vector<16xi32>,
      %sub3A_94 = vector.broadcast %mul3A_2 : i32 to vector<16xi32>
      %sub3A_95 = arith.subi %get3A_91, %sub3A_94 : vector<16xi32>
      %ge3A_96 = arith.constant 0 : i32
      %ge3A_97 = vector.broadcast %ge3A_96 : i32 to vector<16xi32>
      %ge3A_98 = arith.cmpi sge, %sub3A_95, %ge3A_97 : vector<16xi32>
      %lt3A_99 = arith.constant 256 : i32
      %lt3A_100 = vector.broadcast %lt3A_99 : i32 to vector<16xi32>
      %lt3A_101 = arith.cmpi slt, %sub3A_95, %lt3A_100 : vector<16xi32>
      %and3A_102 = arith.andi %ge3A_98, %lt3A_101 : vector<16xi1>
      %max3A_103 = arith.constant 0 : i32
      %max3A_104 = vector.broadcast %max3A_103 : i32 to vector<16xi32>
      %max3A_105 = arith.maxsi %sub3A_95, %max3A_104 : vector<16xi32>
      %min3A_106 = arith.constant 255 : i32
      %min3A_107 = vector.broadcast %min3A_106 : i32 to vector<16xi32>
      %min3A_108 = arith.minsi %max3A_105, %min3A_107 : vector<16xi32>
      tpu.vector_store_idx %arg8[%get3A_93, %min3A_108], %broadcast_in_dim3A_3 masked %and3A_102 {add = true} : memref<256x256xf32, #tpu.memory_space<vmem>>[vector<16xi32>, vector<16xi32>], vector<16xf32>, vector<16xi1>
      %mul3A_109 = arith.constant 80 : i32
      %mul3A_110 = arith.muli %scan3A_23, %mul3A_109 : i32
      %add3A_111 = arith.constant 64 : i32
      %add3A_112 = arith.addi %mul3A_110, %add3A_111 : i32
      %get3A_113 = arith.index_cast %add3A_112 : i32 to index
      %get3A_114 = tpu.vector_load %arg6[%get3A_113] {strides = array<i32>} : memref<10000xi32, #tpu.memory_space<vmem>>, vector<16xi32>,
      %get3A_115 = arith.index_cast %add3A_112 : i32 to index
      %get3A_116 = tpu.vector_load %arg7[%get3A_115] {strides = array<i32>} : memref<10000xi32, #tpu.memory_space<vmem>>, vector<16xi32>,
      %sub3A_117 = vector.broadcast %mul3A_2 : i32 to vector<16xi32>
      %sub3A_118 = arith.subi %get3A_114, %sub3A_117 : vector<16xi32>
      %ge3A_119 = arith.constant 0 : i32
      %ge3A_120 = vector.broadcast %ge3A_119 : i32 to vector<16xi32>
      %ge3A_121 = arith.cmpi sge, %sub3A_118, %ge3A_120 : vector<16xi32>
      %lt3A_122 = arith.constant 256 : i32
      %lt3A_123 = vector.broadcast %lt3A_122 : i32 to vector<16xi32>
      %lt3A_124 = arith.cmpi slt, %sub3A_118, %lt3A_123 : vector<16xi32>
      %and3A_125 = arith.andi %ge3A_121, %lt3A_124 : vector<16xi1>
      %max3A_126 = arith.constant 0 : i32
      %max3A_127 = vector.broadcast %max3A_126 : i32 to vector<16xi32>
      %max3A_128 = arith.maxsi %sub3A_118, %max3A_127 : vector<16xi32>
      %min3A_129 = arith.constant 255 : i32
      %min3A_130 = vector.broadcast %min3A_129 : i32 to vector<16xi32>
      %min3A_131 = arith.minsi %max3A_128, %min3A_130 : vector<16xi32>
      tpu.vector_store_idx %arg8[%get3A_116, %min3A_131], %broadcast_in_dim3A_3 masked %and3A_125 {add = true} : memref<256x256xf32, #tpu.memory_space<vmem>>[vector<16xi32>, vector<16xi32>], vector<16xf32>, vector<16xi1>
    }
    %scan3A_22 = arith.constant 125 : i32
    "tpu.region"() ({
      %run_scoped3A = tpu.sem_alloc : memref<!tpu.dma_semaphore, #tpu.memory_space<semaphore_mem>>
      %dma_start3A_23 = arith.constant 0 : i32
      %dma_start3A_24 = arith.constant 0 : i32
      %dma_start3A_25 = tpu.memref_slice %arg5[%add3A, %dma_start3A_23, %dma_start3A_24] : memref<32x256x256xf32, #tpu.memory_space<hbm>> -> memref<1x256x256xf32, #tpu.memory_space<hbm>>
      %dma_start3A_26 = tpu.memref_squeeze %dma_start3A_25 : memref<1x256x256xf32, #tpu.memory_space<hbm>> -> memref<256x256xf32, #tpu.memory_space<hbm>>
      %dma_start3A_27 = arith.constant 0 : i32
      %dma_start3A_28 = arith.constant 0 : i32
      %dma_start3A_29 = tpu.memref_slice %arg5[%add3A, %dma_start3A_27, %dma_start3A_28] : memref<32x256x256xf32, #tpu.memory_space<hbm>> -> memref<1x256x256xf32, #tpu.memory_space<hbm>>
      %dma_start3A_30 = tpu.memref_squeeze %dma_start3A_29 : memref<1x256x256xf32, #tpu.memory_space<hbm>> -> memref<256x256xf32, #tpu.memory_space<hbm>>
      tpu.enqueue_dma source(%arg8 : memref<256x256xf32, #tpu.memory_space<vmem>>) target(%dma_start3A_30 : memref<256x256xf32, #tpu.memory_space<hbm>>) target_semaphore(%run_scoped3A : memref<!tpu.dma_semaphore, #tpu.memory_space<semaphore_mem>>)
      %dma_wait3A_31 = arith.constant 0 : i32
      %dma_wait3A_32 = arith.constant 0 : i32
      %dma_wait3A_33 = tpu.memref_slice %arg5[%add3A, %dma_wait3A_31, %dma_wait3A_32] : memref<32x256x256xf32, #tpu.memory_space<hbm>> -> memref<1x256x256xf32, #tpu.memory_space<hbm>>
      %dma_wait3A_34 = tpu.memref_squeeze %dma_wait3A_33 : memref<1x256x256xf32, #tpu.memory_space<hbm>> -> memref<256x256xf32, #tpu.memory_space<hbm>>
      %dma_wait3A_35 = arith.constant 0 : i32
      %dma_wait3A_36 = arith.constant 0 : i32
      %dma_wait3A_37 = tpu.memref_slice %arg5[%add3A, %dma_wait3A_35, %dma_wait3A_36] : memref<32x256x256xf32, #tpu.memory_space<hbm>> -> memref<1x256x256xf32, #tpu.memory_space<hbm>>
      %dma_wait3A_38 = tpu.memref_squeeze %dma_wait3A_37 : memref<1x256x256xf32, #tpu.memory_space<hbm>> -> memref<256x256xf32, #tpu.memory_space<hbm>>
      tpu.wait_dma2 semaphore(%run_scoped3A : memref<!tpu.dma_semaphore, #tpu.memory_space<semaphore_mem>>) src(%arg8 : memref<256x256xf32, #tpu.memory_space<vmem>>) dst(%dma_wait3A_38 : memref<256x256xf32, #tpu.memory_space<hbm>>)
      tpu.yield
    }) : () -> ()
    return
  }
}

module attributes {stable_mosaic.version = 14 : i64} {
  func.func @_xstats_body(%arg0: i32, %arg1: memref<1000x512xf32, #tpu.memory_space<vmem>>, %arg2: memref<1x1000x1xi32, #tpu.memory_space<vmem>>, %arg3: memref<1024x512xf32, #tpu.memory_space<vmem>>, %arg4: memref<1000x1xf32, #tpu.memory_space<vmem>>, %arg5: memref<256x512xf32, #tpu.memory_space<vmem>>, %arg6: memref<256x1xf32, #tpu.memory_space<vmem>>, %arg7: memref<1x1024xf32, #tpu.memory_space<vmem>>) attributes {dimension_semantics = [#tpu.dimension_semantics<arbitrary>], iteration_bounds = array<i64: 10>, scalar_prefetch = 0 : i64, scratch_operands = 0 : i64, tpu.core_type = #tpu.core_type<tc>, window_params = [{transform_indices = @transform_0, window_bounds = array<i64: 1000, 512>}, {transform_indices = @transform_1, window_bounds = array<i64: 1, 1000, 1>}, {transform_indices = @transform_2, window_bounds = array<i64: 1024, 512>}, {transform_indices = @transform_3, window_bounds = array<i64: 1000, 1>}, {pipeline_mode = #tpu.pipeline_mode<synchronous>, transform_indices = @transform_4, window_bounds = array<i64: 256, 512>}, {pipeline_mode = #tpu.pipeline_mode<synchronous>, transform_indices = @transform_5, window_bounds = array<i64: 256, 1>}, {transform_indices = @transform_6, window_bounds = array<i64: 1, 1024>}]} {
    %get3A = arith.constant 0 : index
    %get3A_0 = arith.constant 0 : index
    %get3A_1 = vector.load %arg1[%get3A, %get3A_0] : memref<1000x512xf32, #tpu.memory_space<vmem>>, vector<1000x512xf32>
    %mul3A = arith.mulf %get3A_1, %get3A_1 : vector<1000x512xf32>
    %reduce_sum3A = arith.constant dense<0.000000e+00> : vector<1000xf32>
    %reduce_sum3A_2 = vector.multi_reduction <add>, %mul3A, %reduce_sum3A [1] : vector<1000x512xf32> to vector<1000xf32>
    %broadcast_in_dim3A = vector.shape_cast %reduce_sum3A_2 : vector<1000xf32> to vector<1000x1xf32>
    %swap3A = arith.constant 0 : index
    %swap3A_3 = arith.constant 0 : index
    %swap3A_4 = vector.load %arg4[%swap3A, %swap3A_3] : memref<1000x1xf32, #tpu.memory_space<vmem>>, vector<1000x1xf32>
    tpu.vector_store %arg4[%swap3A, %swap3A_3], %broadcast_in_dim3A {strides = array<i32>} : memref<1000x1xf32, #tpu.memory_space<vmem>>, vector<1000x1xf32>,
    %get3A_5 = arith.constant 0 : index
    %get3A_6 = arith.constant 0 : index
    %get3A_7 = vector.load %arg3[%get3A_5, %get3A_6] : memref<1024x512xf32, #tpu.memory_space<vmem>>, vector<1024x512xf32>
    %mul3A_8 = arith.mulf %get3A_7, %get3A_7 : vector<1024x512xf32>
    %reduce_sum3A_9 = arith.constant dense<0.000000e+00> : vector<1024xf32>
    %reduce_sum3A_10 = vector.multi_reduction <add>, %mul3A_8, %reduce_sum3A_9 [1] : vector<1024x512xf32> to vector<1024xf32>
    %broadcast_in_dim3A_11 = vector.shape_cast %reduce_sum3A_10 : vector<1024xf32> to vector<1x1024xf32>
    %swap3A_12 = arith.constant 0 : index
    %swap3A_13 = arith.constant 0 : index
    %swap3A_14 = vector.load %arg7[%swap3A_12, %swap3A_13] : memref<1x1024xf32, #tpu.memory_space<vmem>>, vector<1x1024xf32>
    tpu.vector_store %arg7[%swap3A_12, %swap3A_13], %broadcast_in_dim3A_11 {strides = array<i32>} : memref<1x1024xf32, #tpu.memory_space<vmem>>, vector<1x1024xf32>,
    %eq3A = arith.constant 0 : i32
    %eq3A_15 = arith.cmpi eq, %arg0, %eq3A : i32
    %convert_element_type3A = arith.extui %eq3A_15 : i1 to i32
    %cond3A = arith.constant 0 : i32
    %cond3A_16 = arith.cmpi ne, %convert_element_type3A, %cond3A : i32
    scf.if %cond3A_16 {
      %broadcast_in_dim3A_44 = arith.constant 0.000000e+00 : f32
      %broadcast_in_dim3A_45 = vector.broadcast %broadcast_in_dim3A_44 : f32 to vector<256x512xf32>
      %swap3A_46 = arith.constant 0 : index
      %swap3A_47 = arith.constant 0 : index
      %swap3A_48 = vector.load %arg5[%swap3A_46, %swap3A_47] : memref<256x512xf32, #tpu.memory_space<vmem>>, vector<256x512xf32>
      tpu.vector_store %arg5[%swap3A_46, %swap3A_47], %broadcast_in_dim3A_45 {strides = array<i32>} : memref<256x512xf32, #tpu.memory_space<vmem>>, vector<256x512xf32>,
      %broadcast_in_dim3A_49 = arith.constant 0.000000e+00 : f32
      %broadcast_in_dim3A_50 = vector.broadcast %broadcast_in_dim3A_49 : f32 to vector<256x1xf32>
      %swap3A_51 = arith.constant 0 : index
      %swap3A_52 = arith.constant 0 : index
      %swap3A_53 = vector.load %arg6[%swap3A_51, %swap3A_52] : memref<256x1xf32, #tpu.memory_space<vmem>>, vector<256x1xf32>
      tpu.vector_store %arg6[%swap3A_51, %swap3A_52], %broadcast_in_dim3A_50 {strides = array<i32>} : memref<256x1xf32, #tpu.memory_space<vmem>>, vector<256x1xf32>,
    } else {
    }
    %get3A_17 = arith.constant 0 : index
    %get3A_18 = arith.constant 0 : index
    %get3A_19 = arith.constant 0 : index
    %get3A_20 = vector.load %arg2[%get3A_17, %get3A_18, %get3A_19] : memref<1x1000x1xi32, #tpu.memory_space<vmem>>, vector<1x1000x1xi32>
    %get3A_21 = vector.shape_cast %get3A_20 : vector<1x1000x1xi32> to vector<1000x1xi32>
    %iota3A = tpu.iota {dimensions = array<i32: 1>} : vector<1000x256xi32>
    %eq3A_22 = vector.broadcast %get3A_21 : vector<1000x1xi32> to vector<1000x256xi32>
    %eq3A_23 = arith.cmpi eq, %eq3A_22, %iota3A : vector<1000x256xi32>
    %convert_element_type3A_24 = arith.extui %eq3A_23 : vector<1000x256xi1> to vector<1000x256xi32>
    %convert_element_type3A_25 = arith.sitofp %convert_element_type3A_24 : vector<1000x256xi32> to vector<1000x256xf32>
    %get3A_26 = arith.constant 0 : index
    %get3A_27 = arith.constant 0 : index
    %get3A_28 = vector.load %arg5[%get3A_26, %get3A_27] : memref<256x512xf32, #tpu.memory_space<vmem>>, vector<256x512xf32>
    %dot_general3A = arith.constant dense<0.000000e+00> : vector<256x512xf32>
    %dot_general3A_29 = tpu.matmul %convert_element_type3A_25, %get3A_1, %dot_general3A {dimension_numbers = #tpu.dot_dimension_numbers<[0], [0], [1], [1], [0, 1, 1, 1], [], []>, transpose_lhs_hint = false} : vector<1000x256xf32>, vector<1000x512xf32>, vector<256x512xf32> -> vector<256x512xf32>
    %add3A = arith.addf %get3A_28, %dot_general3A_29 : vector<256x512xf32>
    %swap3A_30 = arith.constant 0 : index
    %swap3A_31 = arith.constant 0 : index
    %swap3A_32 = vector.load %arg5[%swap3A_30, %swap3A_31] : memref<256x512xf32, #tpu.memory_space<vmem>>, vector<256x512xf32>
    tpu.vector_store %arg5[%swap3A_30, %swap3A_31], %add3A {strides = array<i32>} : memref<256x512xf32, #tpu.memory_space<vmem>>, vector<256x512xf32>,
    %get3A_33 = arith.constant 0 : index
    %get3A_34 = arith.constant 0 : index
    %get3A_35 = vector.load %arg6[%get3A_33, %get3A_34] : memref<256x1xf32, #tpu.memory_space<vmem>>, vector<256x1xf32>
    %broadcast_in_dim3A_36 = arith.constant 1.000000e+00 : f32
    %broadcast_in_dim3A_37 = vector.broadcast %broadcast_in_dim3A_36 : f32 to vector<1000x1xf32>
    %dot_general3A_38 = arith.constant dense<0.000000e+00> : vector<256x1xf32>
    %dot_general3A_39 = tpu.matmul %convert_element_type3A_25, %broadcast_in_dim3A_37, %dot_general3A_38 {dimension_numbers = #tpu.dot_dimension_numbers<[0], [0], [1], [1], [0, 1, 1, 1], [], []>, transpose_lhs_hint = false} : vector<1000x256xf32>, vector<1000x1xf32>, vector<256x1xf32> -> vector<256x1xf32>
    %add3A_40 = arith.addf %get3A_35, %dot_general3A_39 : vector<256x1xf32>
    %swap3A_41 = arith.constant 0 : index
    %swap3A_42 = arith.constant 0 : index
    %swap3A_43 = vector.load %arg6[%swap3A_41, %swap3A_42] : memref<256x1xf32, #tpu.memory_space<vmem>>, vector<256x1xf32>
    tpu.vector_store %arg6[%swap3A_41, %swap3A_42], %add3A_40 {strides = array<i32>} : memref<256x1xf32, #tpu.memory_space<vmem>>, vector<256x1xf32>,
    return
  }
  func.func @transform_0(%arg0: i32) -> (i32, i32) {
    %c0_i32 = arith.constant 0 : i32
    %c0_i32_0 = arith.constant 0 : i32
    return %arg0, %c0_i32 : i32, i32
  }
  func.func @transform_1(%arg0: i32) -> (i32, i32, i32) {
    %c0_i32 = arith.constant 0 : i32
    %c0_i32_0 = arith.constant 0 : i32
    %c0_i32_1 = arith.constant 0 : i32
    return %arg0, %c0_i32, %c0_i32_0 : i32, i32, i32
  }
  func.func @transform_2(%arg0: i32) -> (i32, i32) {
    %min3A = arith.constant 7 : i32
    %min3A_0 = arith.minsi %arg0, %min3A : i32
    %c0_i32 = arith.constant 0 : i32
    %c0_i32_1 = arith.constant 0 : i32
    return %min3A_0, %c0_i32 : i32, i32
  }
  func.func @transform_3(%arg0: i32) -> (i32, i32) {
    %c0_i32 = arith.constant 0 : i32
    %c0_i32_0 = arith.constant 0 : i32
    return %arg0, %c0_i32 : i32, i32
  }
  func.func @transform_4(%arg0: i32) -> (i32, i32) {
    %c0_i32 = arith.constant 0 : i32
    %c0_i32_0 = arith.constant 0 : i32
    %c0_i32_1 = arith.constant 0 : i32
    return %c0_i32, %c0_i32_0 : i32, i32
  }
  func.func @transform_5(%arg0: i32) -> (i32, i32) {
    %c0_i32 = arith.constant 0 : i32
    %c0_i32_0 = arith.constant 0 : i32
    %c0_i32_1 = arith.constant 0 : i32
    return %c0_i32, %c0_i32_0 : i32, i32
  }
  func.func @transform_6(%arg0: i32) -> (i32, i32) {
    %min3A = arith.constant 7 : i32
    %min3A_0 = arith.minsi %arg0, %min3A : i32
    %c0_i32 = arith.constant 0 : i32
    %c0_i32_1 = arith.constant 0 : i32
    return %c0_i32, %min3A_0 : i32, i32
  }
}

module attributes {stable_mosaic.version = 14 : i64} {
  func.func @_argmin_body(%arg0: i32, %arg1: i32, %arg2: memref<2000x512xf32, #tpu.memory_space<vmem>>, %arg3: memref<1024x512xf32, #tpu.memory_space<vmem>>, %arg4: memref<2000x1xf32, #tpu.memory_space<vmem>>, %arg5: memref<1x1024xf32, #tpu.memory_space<vmem>>, %arg6: memref<1x2000x1xi32, #tpu.memory_space<vmem>>, %arg7: memref<2000x1xf32, #tpu.memory_space<vmem>>, %arg8: memref<2000x1xi32, #tpu.memory_space<vmem>>) attributes {dimension_semantics = [#tpu.dimension_semantics<arbitrary>, #tpu.dimension_semantics<arbitrary>], iteration_bounds = array<i64: 5, 8>, scalar_prefetch = 0 : i64, scratch_operands = 2 : i64, tpu.core_type = #tpu.core_type<tc>, window_params = [{transform_indices = @transform_0, window_bounds = array<i64: 2000, 512>}, {transform_indices = @transform_1, window_bounds = array<i64: 1024, 512>}, {transform_indices = @transform_2, window_bounds = array<i64: 2000, 1>}, {transform_indices = @transform_3, window_bounds = array<i64: 1, 1024>}, {transform_indices = @transform_4, window_bounds = array<i64: 1, 2000, 1>}]} {
    %get3A = arith.constant 0 : index
    %get3A_0 = arith.constant 0 : index
    %get3A_1 = vector.load %arg2[%get3A, %get3A_0] : memref<2000x512xf32, #tpu.memory_space<vmem>>, vector<2000x512xf32>
    %get3A_2 = arith.constant 0 : index
    %get3A_3 = arith.constant 0 : index
    %get3A_4 = vector.load %arg3[%get3A_2, %get3A_3] : memref<1024x512xf32, #tpu.memory_space<vmem>>, vector<1024x512xf32>
    %dot_general3A = arith.constant dense<0.000000e+00> : vector<2000x1024xf32>
    %dot_general3A_5 = tpu.matmul %get3A_1, %get3A_4, %dot_general3A {dimension_numbers = #tpu.dot_dimension_numbers<[1], [1], [0], [0], [0, 0, 1, 0], [], []>, transpose_lhs_hint = false} : vector<2000x512xf32>, vector<1024x512xf32>, vector<2000x1024xf32> -> vector<2000x1024xf32>
    %get3A_6 = arith.constant 0 : index
    %get3A_7 = arith.constant 0 : index
    %get3A_8 = vector.load %arg4[%get3A_6, %get3A_7] : memref<2000x1xf32, #tpu.memory_space<vmem>>, vector<2000x1xf32>
    %get3A_9 = arith.constant 0 : index
    %get3A_10 = arith.constant 0 : index
    %get3A_11 = vector.load %arg5[%get3A_9, %get3A_10] : memref<1x1024xf32, #tpu.memory_space<vmem>>, vector<1x1024xf32>
    %add3A = vector.broadcast %get3A_8 : vector<2000x1xf32> to vector<2000x1024xf32>
    %add3A_12 = vector.broadcast %get3A_11 : vector<1x1024xf32> to vector<2000x1024xf32>
    %add3A_13 = arith.addf %add3A, %add3A_12 : vector<2000x1024xf32>
    %mul3A = arith.constant 2.000000e+00 : f32
    %mul3A_14 = vector.broadcast %mul3A : f32 to vector<2000x1024xf32>
    %mul3A_15 = arith.mulf %mul3A_14, %dot_general3A_5 : vector<2000x1024xf32>
    %sub3A = arith.subf %add3A_13, %mul3A_15 : vector<2000x1024xf32>
    %reduce_min3A = arith.constant dense<0x7F800000> : vector<2000xf32>
    %reduce_min3A_16 = vector.multi_reduction <minimumf>, %sub3A, %reduce_min3A [1] : vector<2000x1024xf32> to vector<2000xf32>
    %broadcast_in_dim3A = vector.shape_cast %reduce_min3A_16 : vector<2000xf32> to vector<2000x1xf32>
    %iota3A = tpu.iota {dimensions = array<i32: 1>} : vector<2000x1024xi32>
    %eq3A = vector.broadcast %broadcast_in_dim3A : vector<2000x1xf32> to vector<2000x1024xf32>
    %eq3A_17 = arith.cmpf oeq, %sub3A, %eq3A : vector<2000x1024xf32>
    %jit3A = arith.constant 1073741824 : i32
    %broadcast_in_dim3A_18 = vector.broadcast %jit3A : i32 to vector<2000x1024xi32>
    %select_n3A = arith.select %eq3A_17, %iota3A, %broadcast_in_dim3A_18 : vector<2000x1024xi1>, vector<2000x1024xi32>
    %reduce_min3A_19 = arith.constant dense<2147483647> : vector<2000xi32>
    %reduce_min3A_20 = vector.multi_reduction <minsi>, %select_n3A, %reduce_min3A_19 [1] : vector<2000x1024xi32> to vector<2000xi32>
    %broadcast_in_dim3A_21 = vector.shape_cast %reduce_min3A_20 : vector<2000xi32> to vector<2000x1xi32>
    %mul3A_22 = arith.constant 1024 : i32
    %mul3A_23 = arith.muli %arg1, %mul3A_22 : i32
    %add3A_24 = vector.broadcast %mul3A_23 : i32 to vector<2000x1xi32>
    %add3A_25 = arith.addi %broadcast_in_dim3A_21, %add3A_24 : vector<2000x1xi32>
    %eq3A_26 = arith.constant 0 : i32
    %eq3A_27 = arith.cmpi eq, %arg1, %eq3A_26 : i32
    %get3A_28 = arith.constant 0 : index
    %get3A_29 = arith.constant 0 : index
    %get3A_30 = vector.load %arg7[%get3A_28, %get3A_29] : memref<2000x1xf32, #tpu.memory_space<vmem>>, vector<2000x1xf32>
    %lt3A = arith.cmpf olt, %broadcast_in_dim3A, %get3A_30 : vector<2000x1xf32>
    %or3A = vector.broadcast %eq3A_27 : i1 to vector<2000x1xi1>
    %or3A_31 = arith.ori %or3A, %lt3A : vector<2000x1xi1>
    %get3A_32 = arith.constant 0 : index
    %get3A_33 = arith.constant 0 : index
    %get3A_34 = vector.load %arg7[%get3A_32, %get3A_33] : memref<2000x1xf32, #tpu.memory_space<vmem>>, vector<2000x1xf32>
    %select_n3A_35 = arith.select %or3A_31, %broadcast_in_dim3A, %get3A_34 : vector<2000x1xi1>, vector<2000x1xf32>
    %get3A_36 = arith.constant 0 : index
    %get3A_37 = arith.constant 0 : index
    %get3A_38 = vector.load %arg8[%get3A_36, %get3A_37] : memref<2000x1xi32, #tpu.memory_space<vmem>>, vector<2000x1xi32>
    %select_n3A_39 = arith.select %or3A_31, %add3A_25, %get3A_38 : vector<2000x1xi1>, vector<2000x1xi32>
    %swap3A = arith.constant 0 : index
    %swap3A_40 = arith.constant 0 : index
    %swap3A_41 = vector.load %arg7[%swap3A, %swap3A_40] : memref<2000x1xf32, #tpu.memory_space<vmem>>, vector<2000x1xf32>
    tpu.vector_store %arg7[%swap3A, %swap3A_40], %select_n3A_35 {strides = array<i32>} : memref<2000x1xf32, #tpu.memory_space<vmem>>, vector<2000x1xf32>,
    %swap3A_42 = arith.constant 0 : index
    %swap3A_43 = arith.constant 0 : index
    %swap3A_44 = vector.load %arg8[%swap3A_42, %swap3A_43] : memref<2000x1xi32, #tpu.memory_space<vmem>>, vector<2000x1xi32>
    tpu.vector_store %arg8[%swap3A_42, %swap3A_43], %select_n3A_39 {strides = array<i32>} : memref<2000x1xi32, #tpu.memory_space<vmem>>, vector<2000x1xi32>,
    %swap3A_45 = arith.constant 0 : index
    %swap3A_46 = arith.constant 0 : index
    %swap3A_47 = arith.constant 0 : index
    %swap3A_48 = vector.load %arg6[%swap3A_45, %swap3A_46, %swap3A_47] : memref<1x2000x1xi32, #tpu.memory_space<vmem>>, vector<1x2000x1xi32>
    %swap3A_49 = vector.shape_cast %swap3A_48 : vector<1x2000x1xi32> to vector<2000x1xi32>
    %swap3A_50 = vector.shape_cast %select_n3A_39 : vector<2000x1xi32> to vector<1x2000x1xi32>
    tpu.vector_store %arg6[%swap3A_45, %swap3A_46, %swap3A_47], %swap3A_50 {strides = array<i32>} : memref<1x2000x1xi32, #tpu.memory_space<vmem>>, vector<1x2000x1xi32>,
    return
  }
  func.func @transform_0(%arg0: i32, %arg1: i32) -> (i32, i32) {
    %c0_i32 = arith.constant 0 : i32
    %c0_i32_0 = arith.constant 0 : i32
    return %arg0, %c0_i32 : i32, i32
  }
  func.func @transform_1(%arg0: i32, %arg1: i32) -> (i32, i32) {
    %c0_i32 = arith.constant 0 : i32
    %c0_i32_0 = arith.constant 0 : i32
    return %arg1, %c0_i32 : i32, i32
  }
  func.func @transform_2(%arg0: i32, %arg1: i32) -> (i32, i32) {
    %c0_i32 = arith.constant 0 : i32
    %c0_i32_0 = arith.constant 0 : i32
    return %arg0, %c0_i32 : i32, i32
  }
  func.func @transform_3(%arg0: i32, %arg1: i32) -> (i32, i32) {
    %c0_i32 = arith.constant 0 : i32
    %c0_i32_0 = arith.constant 0 : i32
    return %c0_i32, %arg1 : i32, i32
  }
  func.func @transform_4(%arg0: i32, %arg1: i32) -> (i32, i32, i32) {
    %c0_i32 = arith.constant 0 : i32
    %c0_i32_0 = arith.constant 0 : i32
    %c0_i32_1 = arith.constant 0 : i32
    return %arg0, %c0_i32, %c0_i32_0 : i32, i32, i32
  }
}

module attributes {stable_mosaic.version = 14 : i64} {
  func.func @_pool_body(%arg0: i32, %arg1: memref<4x256x256xf32, #tpu.memory_space<vmem>>, %arg2: memref<1024x512xf32, #tpu.memory_space<vmem>>, %arg3: memref<1024x512xf32, #tpu.memory_space<vmem>>, %arg4: memref<256x512xf32, #tpu.memory_space<vmem>>, %arg5: memref<256x1xf32, #tpu.memory_space<vmem>>, %arg6: memref<10x512xf32, #tpu.memory_space<vmem>>, %arg7: memref<1x10xf32, #tpu.memory_space<vmem>>, %arg8: memref<256x10xf32, #tpu.memory_space<vmem>>, %arg9: memref<256x10xf32, #tpu.memory_space<vmem>>, %arg10: memref<256x10xf32, #tpu.memory_space<vmem>>, %arg11: memref<256x512xf32, #tpu.memory_space<vmem>>, %arg12: memref<256x512xf32, #tpu.memory_space<vmem>>, %arg13: memref<256x512xf32, #tpu.memory_space<vmem>>, %arg14: memref<256x512xf32, #tpu.memory_space<vmem>>) attributes {dimension_semantics = [#tpu.dimension_semantics<arbitrary>], iteration_bounds = array<i64: 8>, scalar_prefetch = 0 : i64, scratch_operands = 2 : i64, tpu.core_type = #tpu.core_type<tc>, window_params = [{transform_indices = @transform_0, window_bounds = array<i64: 4, 256, 256>}, {transform_indices = @transform_1, window_bounds = array<i64: 1024, 512>}, {transform_indices = @transform_2, window_bounds = array<i64: 1024, 512>}, {pipeline_mode = #tpu.pipeline_mode<synchronous>, transform_indices = @transform_3, window_bounds = array<i64: 256, 512>}, {pipeline_mode = #tpu.pipeline_mode<synchronous>, transform_indices = @transform_4, window_bounds = array<i64: 256, 1>}, {pipeline_mode = #tpu.pipeline_mode<synchronous>, transform_indices = @transform_5, window_bounds = array<i64: 10, 512>}, {pipeline_mode = #tpu.pipeline_mode<synchronous>, transform_indices = @transform_6, window_bounds = array<i64: 1, 10>}, {pipeline_mode = #tpu.pipeline_mode<synchronous>, transform_indices = @transform_7, window_bounds = array<i64: 256, 10>}, {pipeline_mode = #tpu.pipeline_mode<synchronous>, transform_indices = @transform_8, window_bounds = array<i64: 256, 10>}, {pipeline_mode = #tpu.pipeline_mode<synchronous>, transform_indices = @transform_9, window_bounds = array<i64: 256, 10>}, {pipeline_mode = #tpu.pipeline_mode<synchronous>, transform_indices = @transform_10, window_bounds = array<i64: 256, 512>}, {pipeline_mode = #tpu.pipeline_mode<synchronous>, transform_indices = @transform_11, window_bounds = array<i64: 256, 512>}]} {
    %eq3A = arith.constant 0 : i32
    %eq3A_0 = arith.cmpi eq, %arg0, %eq3A : i32
    %convert_element_type3A = arith.extui %eq3A_0 : i1 to i32
    %cond3A = arith.constant 0 : i32
    %cond3A_1 = arith.cmpi ne, %convert_element_type3A, %cond3A : i32
    scf.if %cond3A_1 {
      %broadcast_in_dim3A = arith.constant 0.000000e+00 : f32
      %broadcast_in_dim3A_72 = vector.broadcast %broadcast_in_dim3A : f32 to vector<256x512xf32>
      %swap3A_73 = arith.constant 0 : index
      %swap3A_74 = arith.constant 0 : index
      %swap3A_75 = vector.load %arg13[%swap3A_73, %swap3A_74] : memref<256x512xf32, #tpu.memory_space<vmem>>, vector<256x512xf32>
      tpu.vector_store %arg13[%swap3A_73, %swap3A_74], %broadcast_in_dim3A_72 {strides = array<i32>} : memref<256x512xf32, #tpu.memory_space<vmem>>, vector<256x512xf32>,
      %broadcast_in_dim3A_76 = arith.constant 0.000000e+00 : f32
      %broadcast_in_dim3A_77 = vector.broadcast %broadcast_in_dim3A_76 : f32 to vector<256x512xf32>
      %swap3A_78 = arith.constant 0 : index
      %swap3A_79 = arith.constant 0 : index
      %swap3A_80 = vector.load %arg14[%swap3A_78, %swap3A_79] : memref<256x512xf32, #tpu.memory_space<vmem>>, vector<256x512xf32>
      tpu.vector_store %arg14[%swap3A_78, %swap3A_79], %broadcast_in_dim3A_77 {strides = array<i32>} : memref<256x512xf32, #tpu.memory_space<vmem>>, vector<256x512xf32>,
    } else {
    }
    %get3A = arith.constant 0 : index
    %get3A_2 = arith.constant 0 : index
    %get3A_3 = vector.load %arg2[%get3A, %get3A_2] : memref<1024x512xf32, #tpu.memory_space<vmem>>, vector<1024x512xf32>
    %get3A_4 = arith.constant 0 : index
    %get3A_5 = arith.constant 0 : index
    %get3A_6 = vector.load %arg3[%get3A_4, %get3A_5] : memref<1024x512xf32, #tpu.memory_space<vmem>>, vector<1024x512xf32>
    %get3A_7 = arith.constant 0 : index
    %get3A_8 = arith.constant 0 : index
    %get3A_9 = vector.load %arg13[%get3A_7, %get3A_8] : memref<256x512xf32, #tpu.memory_space<vmem>>, vector<256x512xf32>
    %get3A_10 = arith.constant 0 : index
    %get3A_11 = arith.constant 0 : index
    %get3A_12 = vector.load %arg14[%get3A_10, %get3A_11] : memref<256x512xf32, #tpu.memory_space<vmem>>, vector<256x512xf32>
    %get3A_13 = arith.constant 0 : index
    %get3A_14 = arith.constant 0 : index
    %get3A_15 = arith.constant 0 : index
    %get3A_16 = vector.load %arg1[%get3A_13, %get3A_14, %get3A_15] : memref<4x256x256xf32, #tpu.memory_space<vmem>>, vector<1x256x256xf32>
    %get3A_17 = vector.shape_cast %get3A_16 : vector<1x256x256xf32> to vector<256x256xf32>
    %slice3A = vector.extract_strided_slice %get3A_3 {offsets = [0, 0], sizes = [256, 512], strides = [1, 1]} : vector<1024x512xf32> to vector<256x512xf32>
    %dot_general3A = arith.constant dense<0.000000e+00> : vector<256x512xf32>
    %dot_general3A_18 = tpu.matmul %get3A_17, %slice3A, %dot_general3A {dimension_numbers = #tpu.dot_dimension_numbers<[1], [0], [0], [1], [0, 0, 1, 1], [], []>, transpose_lhs_hint = false} : vector<256x256xf32>, vector<256x512xf32>, vector<256x512xf32> -> vector<256x512xf32>
    %add3A = arith.addf %get3A_9, %dot_general3A_18 : vector<256x512xf32>
    %slice3A_19 = vector.extract_strided_slice %get3A_6 {offsets = [0, 0], sizes = [256, 512], strides = [1, 1]} : vector<1024x512xf32> to vector<256x512xf32>
    %dot_general3A_20 = arith.constant dense<0.000000e+00> : vector<256x512xf32>
    %dot_general3A_21 = tpu.matmul %get3A_17, %slice3A_19, %dot_general3A_20 {dimension_numbers = #tpu.dot_dimension_numbers<[1], [0], [0], [1], [0, 0, 1, 1], [], []>, transpose_lhs_hint = false} : vector<256x256xf32>, vector<256x512xf32>, vector<256x512xf32> -> vector<256x512xf32>
    %add3A_22 = arith.addf %get3A_12, %dot_general3A_21 : vector<256x512xf32>
    %get3A_23 = arith.constant 1 : index
    %get3A_24 = arith.constant 0 : index
    %get3A_25 = arith.constant 0 : index
    %get3A_26 = vector.load %arg1[%get3A_23, %get3A_24, %get3A_25] : memref<4x256x256xf32, #tpu.memory_space<vmem>>, vector<1x256x256xf32>
    %get3A_27 = vector.shape_cast %get3A_26 : vector<1x256x256xf32> to vector<256x256xf32>
    %slice3A_28 = vector.extract_strided_slice %get3A_3 {offsets = [256, 0], sizes = [256, 512], strides = [1, 1]} : vector<1024x512xf32> to vector<256x512xf32>
    %dot_general3A_29 = arith.constant dense<0.000000e+00> : vector<256x512xf32>
    %dot_general3A_30 = tpu.matmul %get3A_27, %slice3A_28, %dot_general3A_29 {dimension_numbers = #tpu.dot_dimension_numbers<[1], [0], [0], [1], [0, 0, 1, 1], [], []>, transpose_lhs_hint = false} : vector<256x256xf32>, vector<256x512xf32>, vector<256x512xf32> -> vector<256x512xf32>
    %add3A_31 = arith.addf %add3A, %dot_general3A_30 : vector<256x512xf32>
    %slice3A_32 = vector.extract_strided_slice %get3A_6 {offsets = [256, 0], sizes = [256, 512], strides = [1, 1]} : vector<1024x512xf32> to vector<256x512xf32>
    %dot_general3A_33 = arith.constant dense<0.000000e+00> : vector<256x512xf32>
    %dot_general3A_34 = tpu.matmul %get3A_27, %slice3A_32, %dot_general3A_33 {dimension_numbers = #tpu.dot_dimension_numbers<[1], [0], [0], [1], [0, 0, 1, 1], [], []>, transpose_lhs_hint = false} : vector<256x256xf32>, vector<256x512xf32>, vector<256x512xf32> -> vector<256x512xf32>
    %add3A_35 = arith.addf %add3A_22, %dot_general3A_34 : vector<256x512xf32>
    %get3A_36 = arith.constant 2 : index
    %get3A_37 = arith.constant 0 : index
    %get3A_38 = arith.constant 0 : index
    %get3A_39 = vector.load %arg1[%get3A_36, %get3A_37, %get3A_38] : memref<4x256x256xf32, #tpu.memory_space<vmem>>, vector<1x256x256xf32>
    %get3A_40 = vector.shape_cast %get3A_39 : vector<1x256x256xf32> to vector<256x256xf32>
    %slice3A_41 = vector.extract_strided_slice %get3A_3 {offsets = [512, 0], sizes = [256, 512], strides = [1, 1]} : vector<1024x512xf32> to vector<256x512xf32>
    %dot_general3A_42 = arith.constant dense<0.000000e+00> : vector<256x512xf32>
    %dot_general3A_43 = tpu.matmul %get3A_40, %slice3A_41, %dot_general3A_42 {dimension_numbers = #tpu.dot_dimension_numbers<[1], [0], [0], [1], [0, 0, 1, 1], [], []>, transpose_lhs_hint = false} : vector<256x256xf32>, vector<256x512xf32>, vector<256x512xf32> -> vector<256x512xf32>
    %add3A_44 = arith.addf %add3A_31, %dot_general3A_43 : vector<256x512xf32>
    %slice3A_45 = vector.extract_strided_slice %get3A_6 {offsets = [512, 0], sizes = [256, 512], strides = [1, 1]} : vector<1024x512xf32> to vector<256x512xf32>
    %dot_general3A_46 = arith.constant dense<0.000000e+00> : vector<256x512xf32>
    %dot_general3A_47 = tpu.matmul %get3A_40, %slice3A_45, %dot_general3A_46 {dimension_numbers = #tpu.dot_dimension_numbers<[1], [0], [0], [1], [0, 0, 1, 1], [], []>, transpose_lhs_hint = false} : vector<256x256xf32>, vector<256x512xf32>, vector<256x512xf32> -> vector<256x512xf32>
    %add3A_48 = arith.addf %add3A_35, %dot_general3A_47 : vector<256x512xf32>
    %get3A_49 = arith.constant 3 : index
    %get3A_50 = arith.constant 0 : index
    %get3A_51 = arith.constant 0 : index
    %get3A_52 = vector.load %arg1[%get3A_49, %get3A_50, %get3A_51] : memref<4x256x256xf32, #tpu.memory_space<vmem>>, vector<1x256x256xf32>
    %get3A_53 = vector.shape_cast %get3A_52 : vector<1x256x256xf32> to vector<256x256xf32>
    %slice3A_54 = vector.extract_strided_slice %get3A_3 {offsets = [768, 0], sizes = [256, 512], strides = [1, 1]} : vector<1024x512xf32> to vector<256x512xf32>
    %dot_general3A_55 = arith.constant dense<0.000000e+00> : vector<256x512xf32>
    %dot_general3A_56 = tpu.matmul %get3A_53, %slice3A_54, %dot_general3A_55 {dimension_numbers = #tpu.dot_dimension_numbers<[1], [0], [0], [1], [0, 0, 1, 1], [], []>, transpose_lhs_hint = false} : vector<256x256xf32>, vector<256x512xf32>, vector<256x512xf32> -> vector<256x512xf32>
    %add3A_57 = arith.addf %add3A_44, %dot_general3A_56 : vector<256x512xf32>
    %slice3A_58 = vector.extract_strided_slice %get3A_6 {offsets = [768, 0], sizes = [256, 512], strides = [1, 1]} : vector<1024x512xf32> to vector<256x512xf32>
    %dot_general3A_59 = arith.constant dense<0.000000e+00> : vector<256x512xf32>
    %dot_general3A_60 = tpu.matmul %get3A_53, %slice3A_58, %dot_general3A_59 {dimension_numbers = #tpu.dot_dimension_numbers<[1], [0], [0], [1], [0, 0, 1, 1], [], []>, transpose_lhs_hint = false} : vector<256x256xf32>, vector<256x512xf32>, vector<256x512xf32> -> vector<256x512xf32>
    %add3A_61 = arith.addf %add3A_48, %dot_general3A_60 : vector<256x512xf32>
    %swap3A = arith.constant 0 : index
    %swap3A_62 = arith.constant 0 : index
    %swap3A_63 = vector.load %arg13[%swap3A, %swap3A_62] : memref<256x512xf32, #tpu.memory_space<vmem>>, vector<256x512xf32>
    tpu.vector_store %arg13[%swap3A, %swap3A_62], %add3A_57 {strides = array<i32>} : memref<256x512xf32, #tpu.memory_space<vmem>>, vector<256x512xf32>,
    %swap3A_64 = arith.constant 0 : index
    %swap3A_65 = arith.constant 0 : index
    %swap3A_66 = vector.load %arg14[%swap3A_64, %swap3A_65] : memref<256x512xf32, #tpu.memory_space<vmem>>, vector<256x512xf32>
    tpu.vector_store %arg14[%swap3A_64, %swap3A_65], %add3A_61 {strides = array<i32>} : memref<256x512xf32, #tpu.memory_space<vmem>>, vector<256x512xf32>,
    %eq3A_67 = arith.constant 7 : i32
    %eq3A_68 = arith.cmpi eq, %arg0, %eq3A_67 : i32
    %convert_element_type3A_69 = arith.extui %eq3A_68 : i1 to i32
    %cond3A_70 = arith.constant 0 : i32
    %cond3A_71 = arith.cmpi ne, %convert_element_type3A_69, %cond3A_70 : i32
    scf.if %cond3A_71 {
      %get3A_72 = arith.constant 0 : index
      %get3A_73 = arith.constant 0 : index
      %get3A_74 = vector.load %arg5[%get3A_72, %get3A_73] : memref<256x1xf32, #tpu.memory_space<vmem>>, vector<256x1xf32>
      %max3A = arith.constant 1.000000e+00 : f32
      %max3A_75 = vector.broadcast %max3A : f32 to vector<256x1xf32>
      %max3A_76 = arith.maximumf %get3A_74, %max3A_75 : vector<256x1xf32>
      %get3A_77 = arith.constant 0 : index
      %get3A_78 = arith.constant 0 : index
      %get3A_79 = vector.load %arg4[%get3A_77, %get3A_78] : memref<256x512xf32, #tpu.memory_space<vmem>>, vector<256x512xf32>
      %div3A = vector.broadcast %max3A_76 : vector<256x1xf32> to vector<256x512xf32>
      %div3A_80 = arith.divf %get3A_79, %div3A : vector<256x512xf32>
      %get3A_81 = arith.constant 0 : index
      %get3A_82 = arith.constant 0 : index
      %get3A_83 = vector.load %arg13[%get3A_81, %get3A_82] : memref<256x512xf32, #tpu.memory_space<vmem>>, vector<256x512xf32>
      %div3A_84 = vector.broadcast %max3A_76 : vector<256x1xf32> to vector<256x512xf32>
      %div3A_85 = arith.divf %get3A_83, %div3A_84 : vector<256x512xf32>
      %add3A_86 = arith.addf %div3A_80, %div3A_85 : vector<256x512xf32>
      %get3A_87 = arith.constant 0 : index
      %get3A_88 = arith.constant 0 : index
      %get3A_89 = vector.load %arg14[%get3A_87, %get3A_88] : memref<256x512xf32, #tpu.memory_space<vmem>>, vector<256x512xf32>
      %div3A_90 = vector.broadcast %max3A_76 : vector<256x1xf32> to vector<256x512xf32>
      %div3A_91 = arith.divf %get3A_89, %div3A_90 : vector<256x512xf32>
      %get3A_92 = arith.constant 0 : index
      %get3A_93 = arith.constant 0 : index
      %get3A_94 = vector.load %arg6[%get3A_92, %get3A_93] : memref<10x512xf32, #tpu.memory_space<vmem>>, vector<10x512xf32>
      %get3A_95 = arith.constant 0 : index
      %get3A_96 = arith.constant 0 : index
      %get3A_97 = vector.load %arg7[%get3A_95, %get3A_96] : memref<1x10xf32, #tpu.memory_space<vmem>>, vector<1x10xf32>
      %dot_general3A_98 = arith.constant dense<0.000000e+00> : vector<256x10xf32>
      %dot_general3A_99 = tpu.matmul %add3A_86, %get3A_94, %dot_general3A_98 {dimension_numbers = #tpu.dot_dimension_numbers<[1], [1], [0], [0], [0, 0, 1, 0], [], []>, transpose_lhs_hint = false} : vector<256x512xf32>, vector<10x512xf32>, vector<256x10xf32> -> vector<256x10xf32>
      %add3A_100 = vector.broadcast %get3A_97 : vector<1x10xf32> to vector<256x10xf32>
      %add3A_101 = arith.addf %dot_general3A_99, %add3A_100 : vector<256x10xf32>
      %swap3A_102 = arith.constant 0 : index
      %swap3A_103 = arith.constant 0 : index
      %swap3A_104 = vector.load %arg8[%swap3A_102, %swap3A_103] : memref<256x10xf32, #tpu.memory_space<vmem>>, vector<256x10xf32>
      tpu.vector_store %arg8[%swap3A_102, %swap3A_103], %add3A_101 {strides = array<i32>} : memref<256x10xf32, #tpu.memory_space<vmem>>, vector<256x10xf32>,
      %dot_general3A_105 = arith.constant dense<0.000000e+00> : vector<256x10xf32>
      %dot_general3A_106 = tpu.matmul %div3A_91, %get3A_94, %dot_general3A_105 {dimension_numbers = #tpu.dot_dimension_numbers<[1], [1], [0], [0], [0, 0, 1, 0], [], []>, transpose_lhs_hint = false} : vector<256x512xf32>, vector<10x512xf32>, vector<256x10xf32> -> vector<256x10xf32>
      %add3A_107 = vector.broadcast %get3A_97 : vector<1x10xf32> to vector<256x10xf32>
      %add3A_108 = arith.addf %dot_general3A_106, %add3A_107 : vector<256x10xf32>
      %swap3A_109 = arith.constant 0 : index
      %swap3A_110 = arith.constant 0 : index
      %swap3A_111 = vector.load %arg9[%swap3A_109, %swap3A_110] : memref<256x10xf32, #tpu.memory_space<vmem>>, vector<256x10xf32>
      tpu.vector_store %arg9[%swap3A_109, %swap3A_110], %add3A_108 {strides = array<i32>} : memref<256x10xf32, #tpu.memory_space<vmem>>, vector<256x10xf32>,
      %dot_general3A_112 = arith.constant dense<0.000000e+00> : vector<256x10xf32>
      %dot_general3A_113 = tpu.matmul %div3A_80, %get3A_94, %dot_general3A_112 {dimension_numbers = #tpu.dot_dimension_numbers<[1], [1], [0], [0], [0, 0, 1, 0], [], []>, transpose_lhs_hint = false} : vector<256x512xf32>, vector<10x512xf32>, vector<256x10xf32> -> vector<256x10xf32>
      %add3A_114 = vector.broadcast %get3A_97 : vector<1x10xf32> to vector<256x10xf32>
      %add3A_115 = arith.addf %dot_general3A_113, %add3A_114 : vector<256x10xf32>
      %swap3A_116 = arith.constant 0 : index
      %swap3A_117 = arith.constant 0 : index
      %swap3A_118 = vector.load %arg10[%swap3A_116, %swap3A_117] : memref<256x10xf32, #tpu.memory_space<vmem>>, vector<256x10xf32>
      tpu.vector_store %arg10[%swap3A_116, %swap3A_117], %add3A_115 {strides = array<i32>} : memref<256x10xf32, #tpu.memory_space<vmem>>, vector<256x10xf32>,
      %swap3A_119 = arith.constant 0 : index
      %swap3A_120 = arith.constant 0 : index
      %swap3A_121 = vector.load %arg11[%swap3A_119, %swap3A_120] : memref<256x512xf32, #tpu.memory_space<vmem>>, vector<256x512xf32>
      tpu.vector_store %arg11[%swap3A_119, %swap3A_120], %add3A_86 {strides = array<i32>} : memref<256x512xf32, #tpu.memory_space<vmem>>, vector<256x512xf32>,
      %swap3A_122 = arith.constant 0 : index
      %swap3A_123 = arith.constant 0 : index
      %swap3A_124 = vector.load %arg12[%swap3A_122, %swap3A_123] : memref<256x512xf32, #tpu.memory_space<vmem>>, vector<256x512xf32>
      tpu.vector_store %arg12[%swap3A_122, %swap3A_123], %div3A_80 {strides = array<i32>} : memref<256x512xf32, #tpu.memory_space<vmem>>, vector<256x512xf32>,
    } else {
    }
    return
  }
  func.func @transform_0(%arg0: i32) -> (i32, i32, i32) {
    %c0_i32 = arith.constant 0 : i32
    %c0_i32_0 = arith.constant 0 : i32
    %c0_i32_1 = arith.constant 0 : i32
    return %arg0, %c0_i32, %c0_i32_0 : i32, i32, i32
  }
  func.func @transform_1(%arg0: i32) -> (i32, i32) {
    %c0_i32 = arith.constant 0 : i32
    %c0_i32_0 = arith.constant 0 : i32
    return %arg0, %c0_i32 : i32, i32
  }
  func.func @transform_2(%arg0: i32) -> (i32, i32) {
    %c0_i32 = arith.constant 0 : i32
    %c0_i32_0 = arith.constant 0 : i32
    return %arg0, %c0_i32 : i32, i32
  }
  func.func @transform_3(%arg0: i32) -> (i32, i32) {
    %c0_i32 = arith.constant 0 : i32
    %c0_i32_0 = arith.constant 0 : i32
    %c0_i32_1 = arith.constant 0 : i32
    return %c0_i32, %c0_i32_0 : i32, i32
  }
  func.func @transform_4(%arg0: i32) -> (i32, i32) {
    %c0_i32 = arith.constant 0 : i32
    %c0_i32_0 = arith.constant 0 : i32
    %c0_i32_1 = arith.constant 0 : i32
    return %c0_i32, %c0_i32_0 : i32, i32
  }
  func.func @transform_5(%arg0: i32) -> (i32, i32) {
    %c0_i32 = arith.constant 0 : i32
    %c0_i32_0 = arith.constant 0 : i32
    %c0_i32_1 = arith.constant 0 : i32
    return %c0_i32, %c0_i32_0 : i32, i32
  }
  func.func @transform_6(%arg0: i32) -> (i32, i32) {
    %c0_i32 = arith.constant 0 : i32
    %c0_i32_0 = arith.constant 0 : i32
    %c0_i32_1 = arith.constant 0 : i32
    return %c0_i32, %c0_i32_0 : i32, i32
  }
  func.func @transform_7(%arg0: i32) -> (i32, i32) {
    %c0_i32 = arith.constant 0 : i32
    %c0_i32_0 = arith.constant 0 : i32
    %c0_i32_1 = arith.constant 0 : i32
    return %c0_i32, %c0_i32_0 : i32, i32
  }
  func.func @transform_8(%arg0: i32) -> (i32, i32) {
    %c0_i32 = arith.constant 0 : i32
    %c0_i32_0 = arith.constant 0 : i32
    %c0_i32_1 = arith.constant 0 : i32
    return %c0_i32, %c0_i32_0 : i32, i32
  }
  func.func @transform_9(%arg0: i32) -> (i32, i32) {
    %c0_i32 = arith.constant 0 : i32
    %c0_i32_0 = arith.constant 0 : i32
    %c0_i32_1 = arith.constant 0 : i32
    return %c0_i32, %c0_i32_0 : i32, i32
  }
  func.func @transform_10(%arg0: i32) -> (i32, i32) {
    %c0_i32 = arith.constant 0 : i32
    %c0_i32_0 = arith.constant 0 : i32
    %c0_i32_1 = arith.constant 0 : i32
    return %c0_i32, %c0_i32_0 : i32, i32
  }
  func.func @transform_11(%arg0: i32) -> (i32, i32) {
    %c0_i32 = arith.constant 0 : i32
    %c0_i32_0 = arith.constant 0 : i32
    %c0_i32_1 = arith.constant 0 : i32
    return %c0_i32, %c0_i32_0 : i32, i32
  }
}

</mosaic_0001>

<sc_bundles>
// kernel: kernel.10.cloned.1.call-start
scs
__scs_entry_jumppad:
0x0: {  	(pc) =	sbr.rel $0x88, $3  }
0x1: {  	(tag) =	ssettag $0x0;
	lr =	simm.s32 $0x1  }
0x2: {  	[smem:$0x3F9A] =	sst lr;
	_ =	strace $0xD0000000  }
0x3: {  	_ = 	snop  }
0x4: {  	_ = 	snop  }
0x5: {  	_ = 	snop  }
0x6: {  	_ = 	snop  }
0x7: {  	_ = 	snop  }
__scs_overlays_trampoline_lowered:
0x8: {  	[smem:$0x3FA9] =	sst s0  }
0x9: {  	[smem:$0x3FAA] =	sst s1  }
0xa: {  	[smem:$0x3FAB] =	sst s2  }
0xb: {  	[smem:$0x3FAC] =	sst s3  }
0xc: {  	[smem:$0x3FAD] =	sst s4  }
0xd: {  	[smem:$0x3FAE] =	sst s5  }
0xe: {  	[smem:$0x3FAF] =	sst s6  }
0xf: {  	[smem:$0x3FB0] =	sst s7  }
0x10: {  	[smem:$0x3FB1] =	sst s8  }
0x11: {  	[smem:$0x3FB2] =	sst s9;
	s0 =	simm.s32 @!p0 $0x0  }
0x12: {  	s1 =	sld [smem:$0x3F98];
	s0 =	simm.s32 @p0 $0x1  }
0x13: {  	[smem:$0x3FB3] =	sst s0;
	s0 =	simm.s32 @!p1 $0x0  }
0x14: {  	s2 =	sld [smem:$0x3F97];
	s0 =	simm.s32 @p1 $0x1  }
0x15: {  	[smem:$0x3FB4] =	sst s0;
	s0 =	simm.s32 @!p2 $0x0  }
0x16: {  	s3 =	sld [smem:$0x3FDB];
	s0 =	simm.s32 @p2 $0x1  }
0x17: {  	s4 =	simm.s32 $0x1BF5;
	[smem:$0x3FB6] =	sst s0  }
0x18: {  	s0 =	sld [smem:$0x3F99];
	_ =	swait.ge [sflag:s4], $0x0  }
0x19: {  	s7 =	sld [smem:$0x3F9A]  }
0x1a: {  	s8 =	sadd.s32 $0xFFFFE003, lr  }
0x1b: {  	s9 =	sadd.s32 $0xFFFFFEF7, lr;
	s5 =	simm.s32 $0xFFFFFFFF;
	p2 =	slt.u32 s8, $0xFFFFF086  }
0x1c: {  	p1 =	slt.u32 s9, $0xF7A;
	s5 =	simm.s32 @!p2 $0x0  }
0x1d: {  	s5 =	simm.s32 @p1 $0x1;
	p0 =	seq.s32 s7, s2  }
0x1e: {  	s7 =	smul.u32 @!p0 $0xF7A, s2;
	p2 =	seq.s32 @!p0 s5, $0x0  }
0x1f: {  	s9 =	smul.u32 $0xF7A, s1;
	s8 =	simm.s32 @!p0 $0x1BF5;
	p2 =	por !p2, p0  }
0x20: {  	[sflag:s8] =	ssyncset.s32 @!p0 $0xFFFFF086;
	s6 =	sadd.s32 @!p0 s3, s7;
	s7 =	simm.s32 @!p0 $0x108  }
0x21: {  	s3 =	sadd.s32 s3, s9;
	s6 =	sadd.s32 @!p0 $0x88, s6;
	s7 =	simm.s32 @p2 $0x1082  }
0x22: {  	[simem:s7], [sflag:s8] =	dma.local @!p0 [hbm:s6], $0xF7A  }
0x23: {  	s9 =	sor.u32 $0xD0000000, s2;
	s6 =	simm.s32 $0x108;
	_ =	swait.ge @!p0 [sflag:s8], $0x0  }
0x24: {  	s3 =	sadd.s32 $0x88, s3;
	s6 =	simm.s32 @!p1 $0x1082;
	[sflag:s4] =	ssyncset.s32 $0xFFFFF086  }
0x25: {  	[simem:s6], [sflag:s4] =	dma.local [hbm:s3], $0xF7A  }
0x26: {  	[smem:$0x3F9A] =	sst s1;
	(tag) =	ssettag s2;
	_ =	strace s9  }
0x27: {  	s1 =	sld [smem:$0x3FAA]  }
0x28: {  	s2 =	sld [smem:$0x3FAB]  }
0x29: {  	s4 =	sld [smem:$0x3FAD]  }
0x2a: {  	p0 =	seq.s32 s5, $0x0;
	s5 =	sld [smem:$0x3FAE]  }
0x2b: {  	s6 =	sld [smem:$0x3FAF]  }
0x2c: {  	s7 =	sld [smem:$0x3FB0]  }
0x2d: {  	s3 =	simm.s32 $0x108;
	s8 =	sld [smem:$0x3FB1]  }
0x2e: {  	s3 =	simm.s32 @!p0 $0x1082;
	s9 =	sld [smem:$0x3FB2]  }
0x2f: {  	lr =	sadd.s32 s0, s3;
	s0 =	sld [smem:$0x3FA9]  }
0x30: {  	s3 =	sld [smem:$0x3FAC]  }
0x31: {  	[smem:$0x3FB5] =	sst s10  }
0x32: {  	s10 =	sld [smem:$0x3FB3];
	_ =	sdelay $0x3  }
0x33: {  	p0 =	seq.s32 s10, $0x1;
	s10 =	sld [smem:$0x3FB5];
	_ =	sdelay $0x3  }
0x34: {  	[smem:$0x3FB5] =	sst s10  }
0x35: {  	s10 =	sld [smem:$0x3FB4];
	_ =	sdelay $0x3  }
0x36: {  	p1 =	seq.s32 s10, $0x1;
	s10 =	sld [smem:$0x3FB5];
	_ =	sdelay $0x3  }
0x37: {  	[smem:$0x3FB5] =	sst s10  }
0x38: {  	s10 =	sld [smem:$0x3FB6]  }
0x39: {  	_ = 	snop;
	(pc) =	sbr.ind lr, $3  }
0x3a: {  	_ = 	snop  }
0x3b: {  	_ = 	snop  }
0x3c: {  	p2 =	seq.s32 s10, $0x1;
	s10 =	sld [smem:$0x3FB5]  }
0x3d: {  	_ =	shalt  }
0x3e: {  	_ =	shalt  }
0x3f: {  	_ =	shalt  }
0x40: {  	_ =	shalt  }
0x41: {  	_ =	shalt  }
0x42: {  	_ =	shalt  }
0x43: {  	_ =	shalt  }
0x44: {  	_ =	shalt  }
0x45: {  	_ =	shalt  }
0x46: {  	_ =	shalt  }
0x47: {  	_ =	shalt  }
0x48: {  	_ =	shalt  }
0x49: {  	_ =	shalt  }
0x4a: {  	_ =	shalt  }
0x4b: {  	_ =	shalt  }
0x4c: {  	_ =	shalt  }
0x4d: {  	_ =	shalt  }
0x4e: {  	_ =	shalt  }
0x4f: {  	_ =	shalt  }
0x50: {  	_ =	shalt  }
0x51: {  	_ =	shalt  }
0x52: {  	_ =	shalt  }
0x53: {  	_ =	shalt  }
0x54: {  	_ =	shalt  }
0x55: {  	_ =	shalt  }
0x56: {  	_ =	shalt  }
0x57: {  	_ =	shalt  }
0x58: {  	_ =	shalt  }
0x59: {  	_ =	shalt  }
0x5a: {  	_ =	shalt  }
0x5b: {  	_ =	shalt  }
0x5c: {  	_ =	shalt  }
0x5d: {  	_ =	shalt  }
0x5e: {  	_ =	shalt  }
0x5f: {  	_ =	shalt  }
0x60: {  	_ =	shalt  }
0x61: {  	_ =	shalt  }
0x62: {  	_ =	shalt  }
0x63: {  	_ =	shalt  }
0x64: {  	_ =	shalt  }
0x65: {  	_ =	shalt  }
0x66: {  	_ =	shalt  }
0x67: {  	_ =	shalt  }
0x68: {  	_ =	shalt  }
0x69: {  	_ =	shalt  }
0x6a: {  	_ =	shalt  }
0x6b: {  	_ =	shalt  }
0x6c: {  	_ =	shalt  }
0x6d: {  	_ =	shalt  }
0x6e: {  	_ =	shalt  }
0x6f: {  	_ =	shalt  }
0x70: {  	_ =	shalt  }
0x71: {  	_ =	shalt  }
0x72: {  	_ =	shalt  }
0x73: {  	_ =	shalt  }
0x74: {  	_ =	shalt  }
0x75: {  	_ =	shalt  }
0x76: {  	_ =	shalt  }
0x77: {  	_ =	shalt  }
0x78: {  	_ =	shalt  }
0x79: {  	_ =	shalt  }
0x7a: {  	_ =	shalt  }
0x7b: {  	_ =	shalt  }
0x7c: {  	_ =	shalt  }
0x7d: {  	_ =	shalt  }
0x7e: {  	_ =	shalt  }
0x7f: {  	_ =	shalt  }
0x80: {  	_ =	shalt  }
0x81: {  	_ =	shalt  }
0x82: {  	_ =	shalt  }
0x83: {  	_ =	shalt  }
0x84: {  	_ =	shalt  }
0x85: {  	_ =	shalt  }
0x86: {  	_ =	shalt  }
0x87: {  	_ =	shalt  }
.Lfunc_end0:
.L_simem_size_0:
called_computation.1_lowered:
.L_overlay_start_0:
0x88: {  	s2 =	sld [smem:$0x3FD9]  }
0x89: {  	s3 =	sld [smem:$0x3FFE];
	_ =	sdelay $0x1  }
0x8a: {  	s1 =	srdreg.scid  }
0x8b: {  	s0 =	sand.u32 $0x1, s1  }
0x8c: {  	s15 =	sshll.u32 s0, $0xA;
	s2 =	sadd.s32 s3, s2  }
0x8d: {  	s2 =	sadd.s32 s2, s15  }
0x8e: {  	[smem:$0x3FC1] =	sst s2  }
0x8f: {  	_ = 	snop  }
0x90: {  	s16 =	sld [smem:$0x3FD0];
	_ =	sdelay $0x2  }
0x91: {  	s4 =	simm.s32 $0xB;
	s5 =	simm.s32 $0x10;
	s2 =	sld [smem:$0x3FC7]  }
0x92: {  	[smem:s5], [sflag:s4] =	dma.local [hbm:s16], $0x1  }
0x93: {  	_ =	swait.eq [sflag:s4], $0x1  }
0x94: {  	[sflag:s4] =	ssyncset.done $0x0  }
0x95: {  	[sflag:s4] =	ssyncadd.s32 $0xFFFFFFFF  }
0x96: {  	s17 =	sld [smem:$0x13];
	(tm) =	ssettm $0x1  }
0x97: {  	s18 =	sld [smem:$0x3FFB];
	_ =	sdelay $0x3  }
0x98: {  	_ =	strace s18  }
0x99: {  	s3 =	sld [smem:$0x3FFC];
	_ =	sdelay $0x3  }
0x9a: {  	_ =	strace s3  }
0x9b: {  	s3 =	sld [smem:$0x3FFD];
	_ =	sdelay $0x3  }
0x9c: {  	_ =	strace s3  }
0x9d: {  	_ =	strace $0x8FFFFFFF  }
0x9e: {  	s19 =	sld [smem:$0x3FDB];
	_ =	sdelay $0x1  }
0x9f: {  	s20 =	simm.s32 $_scs_section_size  }
0xa0: {  	s6 =	simm.s32 $_size__tile_overlayer_lowered;
	s7 =	simm.s32 $_tile_overlayer_lowered  }
0xa1: {  	s8 =	simm.s32 $0x1BFF;
	s21 =	sshll.u32 s7, $0x1;
	s5 =	sadd.s32 s20, s19  }
0xa2: {  	s22 =	simm.s32 $0x0;
	s6 =	sshll.u32 s6, $0x1;
	s7 =	sadd.s32 s21, s5  }
0xa3: {  	[timem:s22], [sflag:s8] =	dma.local [hbm:s7], s6  }
0xa4: {  	_ =	swait.ge [sflag:s8], s6  }
0xa5: {  	s6 =	ssub.s32 $0x0, s6;
	[sflag:s8] =	ssyncset.done $0x0  }
0xa6: {  	[sflag:s8] =	ssyncadd.s32 s6;
	_ =	sdelay $0x1  }
0xa7: {  	s23 =	simm.s32 $0x1B8B  }
0xa8: {  	_ =	swait.ge [sflag:s23], $0x1  }
0xa9: {  	[sflag:s23] =	ssyncset.done $0x0  }
0xaa: {  	[sflag:s23] =	ssyncadd.s32 $0xFFFFFFFF  }
0xab: {  	s6 =	sld [smem:$0x0]  }
0xac: {  	s7 =	sand.u32 $0xFFFFFFFE, s1  }
0xad: {  	p0 =	sne.s32 s1, s7  }
0xae: {  	s7 =	sshll.u32 @p0 s7, $0xE  }
0xaf: {  	s7 =	sadd.s32 @p0 $0x11B8D, s7;
	s8 =	sshll.u32 @p0 s6, $0x11  }
0xb0: {  	s7 =	sor.u32 @p0 s8, s7  }
0xb1: {  	[sflag:s7] =	ssyncadd.remote.s32 @p0 $0x1;
	_ =	sdelay $0x1  }
0xb2: {  	s7 =	simm.s32 @p0 $0x1B8D  }
0xb3: {  	_ =	swait.eq @p0 [sflag:s7], $0x1  }
0xb4: {  	[sflag:s7] =	ssyncadd.s32 @p0 $0xFFFFFFFF  }
0xb5: {  	s8 =	sshll.u32 @!p0 s1, $0xE  }
0xb6: {  	s8 =	sor.u32 @!p0 $0x4000, s8;
	s7 =	simm.s32 @!p0 $0x1B8D  }
0xb7: {  	s6 =	sshll.u32 @!p0 s6, $0x11;
	s8 =	sadd.s32 @!p0 $0x11B8D, s8;
	_ =	swait.eq @!p0 [sflag:s7], $0x1  }
0xb8: {  	s6 =	sor.u32 @!p0 s6, s8;
	[sflag:s7] =	ssyncadd.s32 @!p0 $0xFFFFFFFF  }
0xb9: {  	s25 =	simm.s32 $0x1B8E;
	s24 =	sld [smem:$0x3FFE];
	[sflag:s6] =	ssyncadd.remote.s32 @!p0 $0x1  }
0xba: {  	s26 =	simm.s32 $execute0_lowered;
	[smem:$0x3FD2] =	sst s25  }
0xbb: {  	s7 =	sshll.u32 s26, $0x1;
	_ =	strace $0x80000049;
	[dreg:$0x1] =	wrdreg $0xFFFFFFFF  }
0xbc: {  	s28 =	simm.s32 $_size_execute0_lowered;
	s5 =	sadd.s32 s5, s7;
	[dreg:$0x0] =	wrdreg $0x0  }
0xbd: {  	s7 =	sshll.u32 s28, $0x1;
	[dreg:$0x2] =	wrdreg s5  }
0xbe: {  	[dreg:$0x3] =	wrdreg s7  }
0xbf: {  	[dreg:$0x4] =	wrdreg $0xC0  }
0xc0: {  	_ =	task [dreg:s22], $0x5FFFF  }
0xc1: {  	[dreg:$0x1] =	wrdreg $0xFFFFFFFF  }
0xc2: {  	[dreg:$0x0] =	wrdreg $0x60  }
0xc3: {  	[dreg:$0x2] =	wrdreg s24  }
0xc4: {  	[dreg:$0x3] =	wrdreg s2  }
0xc5: {  	[dreg:$0x4] =	wrdreg s17  }
0xc6: {  	[dreg:$0x5] =	wrdreg $0xA  }
0xc7: {  	_ =	task.clear_ibuf [dreg:s22], $0x6FFFF;
	_ =	strace $0x90000049  }
0xc8: {  	s29 =	simm.s32 $0xA;
	_ =	strace $0x8000004B  }
0xc9: {  	_ =	swait.ge [sflag:s29], $0x1  }
0xca: {  	[sflag:s29] =	ssyncadd.s32 $0xFFFFFFFF  }
0xcb: {  	_ =	strace $0x9000004B  }
0xcc: {  	_ =	sfence  }
0xcd: {  	s30 =	sld [smem:$0x0];
	_ =	sdelay $0x2  }
0xce: {  	s31 =	sshll.u32 s1, $0xD;
	s1 =	sshrl.u32 s1, $0x2  }
0xcf: {  	s4 =	sand.u32 $0x4000, s31;
	s1 =	sadd.s32 s1, s30  }
0xd0: {  	s0 =	sor.u32 s4, s0;
	s1 =	sshll.u32 s1, $0x11  }
0xd1: {  	s0 =	sor.u32 s1, s0  }
0xd2: {  	s0 =	sadd.s32 $0x8F2B, s0  }
0xd3: {  	[sflag:s0] =	ssyncadd.remote.s32 $0x1  }
0xd4: {  	_ =	sfence.sel $0xFFFF  }
0xd5: {  	[dreg:$0x0] =	wrdreg $0xFFFFFFFF;
	(pc) =	sbr.abs _section_cstart, $3  }
0xd6: {  	[dreg:$0x1] =	wrdreg $0xFFFFFFFF  }
0xd7: {  	_ =	task.clear_ibuf [dreg:s22], $0x2FFFF;
	_ =	strace $0x9FFFFFFF  }
0xd8: {  	(tm) =	ssettm $0x7FFFFFFF  }
0xd9: {  	_ =	shalt  }
tec
execute0_lowered:
.L_overlay_start_1:
0x0: {  	(tag) =	ssettag $0x1  }
0x1: {  	s0 =	srdreg.scid;
	s1 =	rddreg [dreg:$0x0]  }
0x2: {  	s2 =	stileid.u32;
	s6 =	rddreg [dreg:$0x2];
	s12 =	simm.s32 $0x980  }
0x3: {  	s13 =	simm.s32 $0x1180;
	s14 =	simm.s32 $0x1980;
	s15 =	simm.s32 $0x2180  }
0x4: {  	s16 =	simm.s32 $0x2980;
	s17 =	simm.s32 $0x3180;
	s18 =	simm.s32 $0x3980  }
0x5: {  	s28 =	simm.s32 $0x8180;
	s29 =	simm.s32 $0x9980;
	s31 =	simm.s32 $0xA180  }
0x6: {  	s30 =	simm.s32 $0x1;
	s0 =	sand.u32 $0x1, s0;
	s3 =	sshll.u32 s2, $0x1  }
0x7: {  	s2 =	rddreg [dreg:$0x1];
	s4 =	sor.u32 s0, s3;
	s3 =	simm.s32 $0x0  }
0x8: {  	s0 =	ssub.s32 $0x2, s0;
	s5 =	smul.u32 $0x140, s4;
	[smem:$0x7FF] =	sst s3  }
0x9: {  	s9 =	sshrl.u32 s0, $0x1;
	s10 =	smul.u32 $0x5000, s4;
	_ =	strace $0x8000004A  }
0xa: {  	s0 =	ssub.s32 s0, s9;
	s7 =	smin.u32 s5, $0x25D0;
	s19 =	smin.u32 s5, $0x2670  }
0xb: {  	s20 =	smin.u32 s5, $0x2620;
	s21 =	sadd.s32 s6, s10;
	s10 =	simm.s32 $0x4  }
0xc: {  	s8 =	sshrl.u32 s7, $0x3;
	s9 =	sadd.s32 $0xA0, s20;
	s4 =	ssub.s32 s5, s7  }
0xd: {  	s5 =	sadd.s32 $0x100, s2;
	[dreg:$0x5] =	wrdreg s21;
	s11 =	sshll.u32 s7, $0x6  }
0xe: {  	s20 =	simm.s32 $0x4980;
	s21 =	simm.s32 $0x5180;
	s1 =	sadd.s32 s8, s1  }
0xf: {  	s8 =	sadd.s32 $0x50, s19;
	s23 =	sshll.u32 s9, $0x6;
	s25 =	sadd.s32 s11, s6  }
0x10: {  	s19 =	simm.s32 $0x4180;
	s1 =	sadd.s32 $0xE00, s1;
	s22 =	sshll.u32 s8, $0x6  }
0x11: {  	s24 =	sadd.s32 s6, s23;
	s26 =	sadd.s32 $0x3C00, s25;
	s23 =	simm.s32 $0x6180  }
0x12: {  	s25 =	simm.s32 $0x7180;
	[dreg:$0x4] =	wrdreg s1;
	s1 =	sadd.s32 s6, s22  }
0x13: {  	v2 =	vlaneseq.u32;
	s6 =	ssub.s32 s8, s7;
	[dreg:$0x7] =	wrdreg s24;
	s7 =	ssub.s32 s9, s7  }
0x14: {  	vm0 =	vmmov $0xffff;
	v1 =	vshrl.u32 v2, $0x3;
	[dreg:$0x8] =	wrdreg s26;
	s8 =	smax.u32 s0, $0x1;
	s22 =	simm.s32 $0x5980  }
0x15: {  	v0 =	vand.u32 $0x7, v2;
	v2 =	vor.u32 $0x8, v2;
	v1 =	vmul.u32 $0x8, v1;
	s24 =	simm.s32 $0x6980;
	s26 =	simm.s32 $0x7980;
	[dreg:$0x6] =	wrdreg s1  }
.LBB2_1:
0x16: {  	s11 =	rddreg [dreg:$0x4];
	s9 =	simm.s32 $0x5  }
0x17: {  	[tilespmem:s3], [sflag:$0x5] =	stream.linear.gather [hbm4b:s11+s3], $0x140, $0x38;
	[tilespmem:$0x14180] =	vst v63  }
0x18: {  	_ =	swait.ge [sflag:s9], $0x140  }
0x19: {  	[sflag:s9] =	ssyncset.done $0x0  }
0x1a: {  	[sflag:s9] =	ssyncadd.s32 $0xFFFFFEC0  }
0x1b: {  	v3 =	vld [tilespmem:s4+$0x0];
	_ =	sdelay $0x4  }
0x1c: {  	v4 =	vshll.u32 v3, $0x2  }
0x1d: {  	v3 =	vand.u32 $0x7, v3;
	v4 =	vand.u32 $0xFFFFFFE0, v4  }
0x1e: {  	v3 =	vor.u32 v3, v4  }
0x1f: {  	v4 =	vperm.xlane v3, v0;
	_ =	sdelay $0x1  }
0x20: {  	v4 =	vadd.s32 v1, v4;
	_ =	sdelay $0x1  }
0x21: {  	v3 =	vperm.xlane v3, v2;
	_ =	sdelay $0x1  }
0x22: {  	s1 =	simm.s32 $0x180;
	v3 =	vadd.s32 v1, v3  }
0x23: {  	[tilespmem:s1], [sflag:$0x1] =	stream.indirect_vreg.gather [hbm4b:s2+s3], $0x80, v4, vm0, $0xb8;
	[tilespmem:$0x14180] =	vst v63  }
0x24: {  	_ = 	snop  }
0x25: {  	[tilespmem:s12], [sflag:$0x1] =	stream.indirect_vreg.gather [hbm4b:s5+s3], $0x80, v4, vm0, $0xb8;
	[tilespmem:$0x14180] =	vst v63  }
0x26: {  	_ = 	snop  }
0x27: {  	[tilespmem:s13], [sflag:$0x1] =	stream.indirect_vreg.gather [hbm4b:s2+s3], $0x80, v3, vm0, $0xb8;
	[tilespmem:$0x14180] =	vst v63  }
0x28: {  	_ = 	snop  }
0x29: {  	[tilespmem:s14], [sflag:$0x1] =	stream.indirect_vreg.gather [hbm4b:s5+s3], $0x80, v3, vm0, $0xb8;
	[tilespmem:$0x14180] =	vst v63  }
0x2a: {  	v3 =	vld [tilespmem:s4+$0x10];
	_ =	sdelay $0x4  }
0x2b: {  	v45 =	vshll.u32 v3, $0x2  }
0x2c: {  	v3 =	vand.u32 $0x7, v3;
	v4 =	vand.u32 $0xFFFFFFE0, v45  }
0x2d: {  	v3 =	vor.u32 v3, v4  }
0x2e: {  	v4 =	vperm.xlane v3, v0;
	_ =	sdelay $0x1  }
0x2f: {  	v4 =	vadd.s32 v1, v4;
	_ =	sdelay $0x1  }
0x30: {  	v3 =	vperm.xlane v3, v2;
	_ =	sdelay $0x1  }
0x31: {  	v3 =	vadd.s32 v1, v3  }
0x32: {  	[tilespmem:s15], [sflag:$0x1] =	stream.indirect_vreg.gather [hbm4b:s2+s3], $0x80, v4, vm0, $0xb8;
	[tilespmem:$0x14180] =	vst v63  }
0x33: {  	_ = 	snop  }
0x34: {  	[tilespmem:s16], [sflag:$0x1] =	stream.indirect_vreg.gather [hbm4b:s5+s3], $0x80, v4, vm0, $0xb8;
	[tilespmem:$0x14180] =	vst v63  }
0x35: {  	_ = 	snop  }
0x36: {  	[tilespmem:s17], [sflag:$0x1] =	stream.indirect_vreg.gather [hbm4b:s2+s3], $0x80, v3, vm0, $0xb8;
	[tilespmem:$0x14180] =	vst v63  }
0x37: {  	_ = 	snop  }
0x38: {  	[tilespmem:s18], [sflag:$0x1] =	stream.indirect_vreg.gather [hbm4b:s5+s3], $0x80, v3, vm0, $0xb8;
	[tilespmem:$0x14180] =	vst v63  }
0x39: {  	v3 =	vld [tilespmem:s4+$0x20];
	_ =	sdelay $0x4  }
0x3a: {  	v46 =	vshll.u32 v3, $0x2  }
0x3b: {  	v3 =	vand.u32 $0x7, v3;
	v4 =	vand.u32 $0xFFFFFFE0, v46  }
0x3c: {  	v3 =	vor.u32 v3, v4  }
0x3d: {  	v4 =	vperm.xlane v3, v0;
	_ =	sdelay $0x1  }
0x3e: {  	v4 =	vadd.s32 v1, v4;
	_ =	sdelay $0x1  }
0x3f: {  	v3 =	vperm.xlane v3, v2;
	_ =	sdelay $0x1  }
0x40: {  	v3 =	vadd.s32 v1, v3  }
0x41: {  	[tilespmem:s19], [sflag:$0x1] =	stream.indirect_vreg.gather [hbm4b:s2+s3], $0x80, v4, vm0, $0xb8;
	[tilespmem:$0x14180] =	vst v63  }
0x42: {  	_ = 	snop  }
0x43: {  	[tilespmem:s20], [sflag:$0x1] =	stream.indirect_vreg.gather [hbm4b:s5+s3], $0x80, v4, vm0, $0xb8;
	[tilespmem:$0x14180] =	vst v63  }
0x44: {  	_ = 	snop  }
0x45: {  	[tilespmem:s21], [sflag:$0x1] =	stream.indirect_vreg.gather [hbm4b:s2+s3], $0x80, v3, vm0, $0xb8;
	[tilespmem:$0x14180] =	vst v63  }
0x46: {  	_ = 	snop  }
0x47: {  	[tilespmem:s22], [sflag:$0x1] =	stream.indirect_vreg.gather [hbm4b:s5+s3], $0x80, v3, vm0, $0xb8;
	[tilespmem:$0x14180] =	vst v63  }
0x48: {  	v3 =	vld [tilespmem:s4+$0x30];
	_ =	sdelay $0x4  }
0x49: {  	v47 =	vshll.u32 v3, $0x2  }
0x4a: {  	v3 =	vand.u32 $0x7, v3;
	v4 =	vand.u32 $0xFFFFFFE0, v47  }
0x4b: {  	v3 =	vor.u32 v3, v4  }
0x4c: {  	v4 =	vperm.xlane v3, v0;
	_ =	sdelay $0x1  }
0x4d: {  	v4 =	vadd.s32 v1, v4;
	_ =	sdelay $0x1  }
0x4e: {  	v3 =	vperm.xlane v3, v2;
	_ =	sdelay $0x1  }
0x4f: {  	v3 =	vadd.s32 v1, v3  }
0x50: {  	[tilespmem:s23], [sflag:$0x1] =	stream.indirect_vreg.gather [hbm4b:s2+s3], $0x80, v4, vm0, $0xb8;
	[tilespmem:$0x14180] =	vst v63  }
0x51: {  	_ = 	snop  }
0x52: {  	[tilespmem:s24], [sflag:$0x1] =	stream.indirect_vreg.gather [hbm4b:s5+s3], $0x80, v4, vm0, $0xb8;
	[tilespmem:$0x14180] =	vst v63  }
0x53: {  	_ = 	snop  }
0x54: {  	[tilespmem:s25], [sflag:$0x1] =	stream.indirect_vreg.gather [hbm4b:s2+s3], $0x80, v3, vm0, $0xb8;
	[tilespmem:$0x14180] =	vst v63  }
0x55: {  	_ = 	snop  }
0x56: {  	[tilespmem:s26], [sflag:$0x1] =	stream.indirect_vreg.gather [hbm4b:s5+s3], $0x80, v3, vm0, $0xb8;
	[tilespmem:$0x14180] =	vst v63  }
0x57: {  	v3 =	vld [tilespmem:s4+$0x40];
	_ =	sdelay $0x4  }
0x58: {  	v48 =	vshll.u32 v3, $0x2  }
0x59: {  	v3 =	vand.u32 $0x7, v3;
	v4 =	vand.u32 $0xFFFFFFE0, v48  }
0x5a: {  	v3 =	vor.u32 v3, v4  }
0x5b: {  	v4 =	vperm.xlane v3, v0;
	_ =	sdelay $0x1  }
0x5c: {  	v4 =	vadd.s32 v1, v4;
	_ =	sdelay $0x1  }
0x5d: {  	v3 =	vperm.xlane v3, v2;
	_ =	sdelay $0x1  }
0x5e: {  	v3 =	vadd.s32 v1, v3  }
0x5f: {  	[tilespmem:s28], [sflag:$0x1] =	stream.indirect_vreg.gather [hbm4b:s2+s3], $0x80, v4, vm0, $0xb8;
	[tilespmem:$0x14180] =	vst v63  }
0x60: {  	s9 =	simm.s32 $0x8980  }
0x61: {  	[tilespmem:s9], [sflag:$0x1] =	stream.indirect_vreg.gather [hbm4b:s5+s3], $0x80, v4, vm0, $0xb8;
	[tilespmem:$0x14180] =	vst v63  }
0x62: {  	s0 =	simm.s32 $0x9180  }
0x63: {  	[tilespmem:s0], [sflag:$0x1] =	stream.indirect_vreg.gather [hbm4b:s2+s3], $0x80, v3, vm0, $0xb8;
	[tilespmem:$0x14180] =	vst v63  }
0x64: {  	_ = 	snop  }
0x65: {  	[tilespmem:s29], [sflag:$0x1] =	stream.indirect_vreg.gather [hbm4b:s5+s3], $0x80, v3, vm0, $0xb8;
	[tilespmem:$0x14180] =	vst v63  }
0x66: {  	v3 =	vld [tilespmem:s6+$0x0];
	_ =	sdelay $0x4  }
0x67: {  	v49 =	vshll.u32 v3, $0x2  }
0x68: {  	v3 =	vand.u32 $0x7, v3;
	v4 =	vand.u32 $0xFFFFFFE0, v49  }
0x69: {  	v3 =	vor.u32 v3, v4  }
0x6a: {  	v4 =	vperm.xlane v3, v0;
	_ =	sdelay $0x1  }
0x6b: {  	v4 =	vadd.s32 v1, v4;
	_ =	sdelay $0x1  }
0x6c: {  	v3 =	vperm.xlane v3, v2;
	_ =	sdelay $0x1  }
0x6d: {  	v3 =	vadd.s32 v1, v3  }
0x6e: {  	[tilespmem:s31], [sflag:$0x2] =	stream.indirect_vreg.gather [hbm4b:s2+s3], $0x80, v4, vm0, $0xb8;
	[tilespmem:$0x14180] =	vst v63  }
0x6f: {  	s11 =	simm.s32 $0xA980  }
0x70: {  	[tilespmem:s11], [sflag:$0x2] =	stream.indirect_vreg.gather [hbm4b:s5+s3], $0x80, v4, vm0, $0xb8;
	[tilespmem:$0x14180] =	vst v63  }
0x71: {  	s1 =	simm.s32 $0xB180  }
0x72: {  	[tilespmem:s1], [sflag:$0x2] =	stream.indirect_vreg.gather [hbm4b:s2+s3], $0x80, v3, vm0, $0xb8;
	[tilespmem:$0x14180] =	vst v63  }
0x73: {  	s11 =	simm.s32 $0xB980  }
0x74: {  	[tilespmem:s11], [sflag:$0x2] =	stream.indirect_vreg.gather [hbm4b:s5+s3], $0x80, v3, vm0, $0xb8;
	[tilespmem:$0x14180] =	vst v63  }
0x75: {  	v3 =	vld [tilespmem:s6+$0x10];
	_ =	sdelay $0x4  }
0x76: {  	v50 =	vshll.u32 v3, $0x2  }
0x77: {  	v3 =	vand.u32 $0x7, v3;
	v4 =	vand.u32 $0xFFFFFFE0, v50  }
0x78: {  	v3 =	vor.u32 v3, v4  }
0x79: {  	v4 =	vperm.xlane v3, v0;
	_ =	sdelay $0x1  }
0x7a: {  	v4 =	vadd.s32 v1, v4;
	_ =	sdelay $0x1  }
0x7b: {  	v3 =	vperm.xlane v3, v2;
	_ =	sdelay $0x1  }
0x7c: {  	s1 =	simm.s32 $0xC180;
	v3 =	vadd.s32 v1, v3  }
0x7d: {  	[tilespmem:s1], [sflag:$0x2] =	stream.indirect_vreg.gather [hbm4b:s2+s3], $0x80, v4, vm0, $0xb8;
	[tilespmem:$0x14180] =	vst v63  }
0x7e: {  	s11 =	simm.s32 $0xC980  }
0x7f: {  	[tilespmem:s11], [sflag:$0x2] =	stream.indirect_vreg.gather [hbm4b:s5+s3], $0x80, v4, vm0, $0xb8;
	[tilespmem:$0x14180] =	vst v63  }
0x80: {  	s1 =	simm.s32 $0xD180  }
0x81: {  	[tilespmem:s1], [sflag:$0x2] =	stream.indirect_vreg.gather [hbm4b:s2+s3], $0x80, v3, vm0, $0xb8;
	[tilespmem:$0x14180] =	vst v63  }
0x82: {  	s11 =	simm.s32 $0xD980  }
0x83: {  	[tilespmem:s11], [sflag:$0x2] =	stream.indirect_vreg.gather [hbm4b:s5+s3], $0x80, v3, vm0, $0xb8;
	[tilespmem:$0x14180] =	vst v63  }
0x84: {  	v3 =	vld [tilespmem:s6+$0x20];
	_ =	sdelay $0x4  }
0x85: {  	v51 =	vshll.u32 v3, $0x2  }
0x86: {  	v3 =	vand.u32 $0x7, v3;
	v4 =	vand.u32 $0xFFFFFFE0, v51  }
0x87: {  	v3 =	vor.u32 v3, v4  }
0x88: {  	v4 =	vperm.xlane v3, v0;
	_ =	sdelay $0x1  }
0x89: {  	v4 =	vadd.s32 v1, v4;
	_ =	sdelay $0x1  }
0x8a: {  	v3 =	vperm.xlane v3, v2;
	_ =	sdelay $0x1  }
0x8b: {  	s1 =	simm.s32 $0xE180;
	v3 =	vadd.s32 v1, v3  }
0x8c: {  	[tilespmem:s1], [sflag:$0x2] =	stream.indirect_vreg.gather [hbm4b:s2+s3], $0x80, v4, vm0, $0xb8;
	[tilespmem:$0x14180] =	vst v63  }
0x8d: {  	s11 =	simm.s32 $0xE980  }
0x8e: {  	[tilespmem:s11], [sflag:$0x2] =	stream.indirect_vreg.gather [hbm4b:s5+s3], $0x80, v4, vm0, $0xb8;
	[tilespmem:$0x14180] =	vst v63  }
0x8f: {  	s1 =	simm.s32 $0xF180  }
0x90: {  	[tilespmem:s1], [sflag:$0x2] =	stream.indirect_vreg.gather [hbm4b:s2+s3], $0x80, v3, vm0, $0xb8;
	[tilespmem:$0x14180] =	vst v63  }
0x91: {  	s11 =	simm.s32 $0xF980  }
0x92: {  	[tilespmem:s11], [sflag:$0x2] =	stream.indirect_vreg.gather [hbm4b:s5+s3], $0x80, v3, vm0, $0xb8;
	[tilespmem:$0x14180] =	vst v63  }
0x93: {  	v3 =	vld [tilespmem:s6+$0x30];
	_ =	sdelay $0x4  }
0x94: {  	v52 =	vshll.u32 v3, $0x2  }
0x95: {  	v3 =	vand.u32 $0x7, v3;
	v4 =	vand.u32 $0xFFFFFFE0, v52  }
0x96: {  	v3 =	vor.u32 v3, v4  }
0x97: {  	v4 =	vperm.xlane v3, v0;
	_ =	sdelay $0x1  }
0x98: {  	v4 =	vadd.s32 v1, v4;
	_ =	sdelay $0x1  }
0x99: {  	v3 =	vperm.xlane v3, v2;
	_ =	sdelay $0x1  }
0x9a: {  	s1 =	simm.s32 $0x10180;
	v3 =	vadd.s32 v1, v3  }
0x9b: {  	[tilespmem:s1], [sflag:$0x2] =	stream.indirect_vreg.gather [hbm4b:s2+s3], $0x80, v4, vm0, $0xb8;
	[tilespmem:$0x14180] =	vst v63  }
0x9c: {  	s11 =	simm.s32 $0x10980  }
0x9d: {  	[tilespmem:s11], [sflag:$0x2] =	stream.indirect_vreg.gather [hbm4b:s5+s3], $0x80, v4, vm0, $0xb8;
	[tilespmem:$0x14180] =	vst v63  }
0x9e: {  	s1 =	simm.s32 $0x11180  }
0x9f: {  	[tilespmem:s1], [sflag:$0x2] =	stream.indirect_vreg.gather [hbm4b:s2+s3], $0x80, v3, vm0, $0xb8;
	[tilespmem:$0x14180] =	vst v63  }
0xa0: {  	s11 =	simm.s32 $0x11980  }
0xa1: {  	[tilespmem:s11], [sflag:$0x2] =	stream.indirect_vreg.gather [hbm4b:s5+s3], $0x80, v3, vm0, $0xb8;
	[tilespmem:$0x14180] =	vst v63  }
0xa2: {  	v3 =	vld [tilespmem:s6+$0x40];
	_ =	sdelay $0x4  }
0xa3: {  	v53 =	vshll.u32 v3, $0x2  }
0xa4: {  	v3 =	vand.u32 $0x7, v3;
	v4 =	vand.u32 $0xFFFFFFE0, v53  }
0xa5: {  	v3 =	vor.u32 v3, v4  }
0xa6: {  	v4 =	vperm.xlane v3, v0;
	_ =	sdelay $0x1  }
0xa7: {  	v4 =	vadd.s32 v1, v4;
	_ =	sdelay $0x1  }
0xa8: {  	v3 =	vperm.xlane v3, v2;
	_ =	sdelay $0x1  }
0xa9: {  	s1 =	simm.s32 $0x12180;
	v3 =	vadd.s32 v1, v3  }
0xaa: {  	[tilespmem:s1], [sflag:$0x2] =	stream.indirect_vreg.gather [hbm4b:s2+s3], $0x80, v4, vm0, $0xb8;
	[tilespmem:$0x14180] =	vst v63  }
0xab: {  	s11 =	simm.s32 $0x12980  }
0xac: {  	[tilespmem:s11], [sflag:$0x2] =	stream.indirect_vreg.gather [hbm4b:s5+s3], $0x80, v4, vm0, $0xb8;
	[tilespmem:$0x14180] =	vst v63  }
0xad: {  	s1 =	simm.s32 $0x13180  }
0xae: {  	[tilespmem:s1], [sflag:$0x2] =	stream.indirect_vreg.gather [hbm4b:s2+s3], $0x80, v3, vm0, $0xb8;
	[tilespmem:$0x14180] =	vst v63  }
0xaf: {  	s11 =	simm.s32 $0x13980  }
0xb0: {  	[tilespmem:s11], [sflag:$0x2] =	stream.indirect_vreg.gather [hbm4b:s5+s3], $0x80, v3, vm0, $0xb8;
	[tilespmem:$0x14180] =	vst v63  }
0xb1: {  	_ =	swait.ge [sflag:s30], $0xA000  }
0xb2: {  	[sflag:s30] =	ssyncset.done $0x0  }
0xb3: {  	s0 =	simm.s32 $0x180;
	s1 =	rddreg [dreg:$0x5];
	[sflag:s30] =	ssyncadd.s32 $0xFFFF6000  }
0xb4: {  	[hbm4b:s1+s3] =	stream.linear.scatter [tilespmem:s0], [sflag:$0x3], $0xA000, $0x38;
	[tilespmem:$0x14180] =	vst v63  }
0xb5: {  	s1 =	simm.s32 $0x3  }
0xb6: {  	_ =	swait.ge [sflag:s1], $0xA000  }
0xb7: {  	[sflag:s1] =	ssyncset.done $0x0  }
0xb8: {  	[sflag:s1] =	ssyncadd.s32 $0xFFFF6000  }
0xb9: {  	v3 =	vld [tilespmem:s7+$0x0];
	_ =	sdelay $0x4  }
0xba: {  	v54 =	vshll.u32 v3, $0x2  }
0xbb: {  	v3 =	vand.u32 $0x7, v3;
	v4 =	vand.u32 $0xFFFFFFE0, v54  }
0xbc: {  	v3 =	vor.u32 v3, v4  }
0xbd: {  	v4 =	vperm.xlane v3, v0;
	_ =	sdelay $0x1  }
0xbe: {  	v4 =	vadd.s32 v1, v4;
	_ =	sdelay $0x1  }
0xbf: {  	v3 =	vperm.xlane v3, v2;
	_ =	sdelay $0x1  }
0xc0: {  	v3 =	vadd.s32 v1, v3  }
0xc1: {  	[tilespmem:s0], [sflag:$0x1] =	stream.indirect_vreg.gather [hbm4b:s2+s3], $0x80, v4, vm0, $0xb8;
	[tilespmem:$0x14180] =	vst v63  }
0xc2: {  	_ = 	snop  }
0xc3: {  	[tilespmem:s12], [sflag:$0x1] =	stream.indirect_vreg.gather [hbm4b:s5+s3], $0x80, v4, vm0, $0xb8;
	[tilespmem:$0x14180] =	vst v63  }
0xc4: {  	_ = 	snop  }
0xc5: {  	[tilespmem:s13], [sflag:$0x1] =	stream.indirect_vreg.gather [hbm4b:s2+s3], $0x80, v3, vm0, $0xb8;
	[tilespmem:$0x14180] =	vst v63  }
0xc6: {  	_ = 	snop  }
0xc7: {  	[tilespmem:s14], [sflag:$0x1] =	stream.indirect_vreg.gather [hbm4b:s5+s3], $0x80, v3, vm0, $0xb8;
	[tilespmem:$0x14180] =	vst v63  }
0xc8: {  	v3 =	vld [tilespmem:s7+$0x10];
	_ =	sdelay $0x4  }
0xc9: {  	v55 =	vshll.u32 v3, $0x2  }
0xca: {  	v3 =	vand.u32 $0x7, v3;
	v4 =	vand.u32 $0xFFFFFFE0, v55  }
0xcb: {  	v3 =	vor.u32 v3, v4  }
0xcc: {  	v4 =	vperm.xlane v3, v0;
	_ =	sdelay $0x1  }
0xcd: {  	v4 =	vadd.s32 v1, v4;
	_ =	sdelay $0x1  }
0xce: {  	v3 =	vperm.xlane v3, v2;
	_ =	sdelay $0x1  }
0xcf: {  	v3 =	vadd.s32 v1, v3  }
0xd0: {  	[tilespmem:s15], [sflag:$0x1] =	stream.indirect_vreg.gather [hbm4b:s2+s3], $0x80, v4, vm0, $0xb8;
	[tilespmem:$0x14180] =	vst v63  }
0xd1: {  	_ = 	snop  }
0xd2: {  	[tilespmem:s16], [sflag:$0x1] =	stream.indirect_vreg.gather [hbm4b:s5+s3], $0x80, v4, vm0, $0xb8;
	[tilespmem:$0x14180] =	vst v63  }
0xd3: {  	_ = 	snop  }
0xd4: {  	[tilespmem:s17], [sflag:$0x1] =	stream.indirect_vreg.gather [hbm4b:s2+s3], $0x80, v3, vm0, $0xb8;
	[tilespmem:$0x14180] =	vst v63  }
0xd5: {  	_ = 	snop  }
0xd6: {  	[tilespmem:s18], [sflag:$0x1] =	stream.indirect_vreg.gather [hbm4b:s5+s3], $0x80, v3, vm0, $0xb8;
	[tilespmem:$0x14180] =	vst v63  }
0xd7: {  	v3 =	vld [tilespmem:s7+$0x20];
	_ =	sdelay $0x4  }
0xd8: {  	v56 =	vshll.u32 v3, $0x2  }
0xd9: {  	v3 =	vand.u32 $0x7, v3;
	v4 =	vand.u32 $0xFFFFFFE0, v56  }
0xda: {  	v3 =	vor.u32 v3, v4  }
0xdb: {  	v4 =	vperm.xlane v3, v0;
	_ =	sdelay $0x1  }
0xdc: {  	v4 =	vadd.s32 v1, v4;
	_ =	sdelay $0x1  }
0xdd: {  	v3 =	vperm.xlane v3, v2;
	_ =	sdelay $0x1  }
0xde: {  	v3 =	vadd.s32 v1, v3  }
0xdf: {  	[tilespmem:s19], [sflag:$0x1] =	stream.indirect_vreg.gather [hbm4b:s2+s3], $0x80, v4, vm0, $0xb8;
	[tilespmem:$0x14180] =	vst v63  }
0xe0: {  	_ = 	snop  }
0xe1: {  	[tilespmem:s20], [sflag:$0x1] =	stream.indirect_vreg.gather [hbm4b:s5+s3], $0x80, v4, vm0, $0xb8;
	[tilespmem:$0x14180] =	vst v63  }
0xe2: {  	_ = 	snop  }
0xe3: {  	[tilespmem:s21], [sflag:$0x1] =	stream.indirect_vreg.gather [hbm4b:s2+s3], $0x80, v3, vm0, $0xb8;
	[tilespmem:$0x14180] =	vst v63  }
0xe4: {  	_ = 	snop  }
0xe5: {  	[tilespmem:s22], [sflag:$0x1] =	stream.indirect_vreg.gather [hbm4b:s5+s3], $0x80, v3, vm0, $0xb8;
	[tilespmem:$0x14180] =	vst v63  }
0xe6: {  	v3 =	vld [tilespmem:s7+$0x30];
	_ =	sdelay $0x4  }
0xe7: {  	v57 =	vshll.u32 v3, $0x2  }
0xe8: {  	v3 =	vand.u32 $0x7, v3;
	v4 =	vand.u32 $0xFFFFFFE0, v57  }
0xe9: {  	v3 =	vor.u32 v3, v4  }
0xea: {  	v4 =	vperm.xlane v3, v0;
	_ =	sdelay $0x1  }
0xeb: {  	v4 =	vadd.s32 v1, v4;
	_ =	sdelay $0x1  }
0xec: {  	v3 =	vperm.xlane v3, v2;
	_ =	sdelay $0x1  }
0xed: {  	v3 =	vadd.s32 v1, v3  }
0xee: {  	[tilespmem:s23], [sflag:$0x1] =	stream.indirect_vreg.gather [hbm4b:s2+s3], $0x80, v4, vm0, $0xb8;
	[tilespmem:$0x14180] =	vst v63  }
0xef: {  	_ = 	snop  }
0xf0: {  	[tilespmem:s24], [sflag:$0x1] =	stream.indirect_vreg.gather [hbm4b:s5+s3], $0x80, v4, vm0, $0xb8;
	[tilespmem:$0x14180] =	vst v63  }
0xf1: {  	_ = 	snop  }
0xf2: {  	[tilespmem:s25], [sflag:$0x1] =	stream.indirect_vreg.gather [hbm4b:s2+s3], $0x80, v3, vm0, $0xb8;
	[tilespmem:$0x14180] =	vst v63  }
0xf3: {  	_ = 	snop  }
0xf4: {  	[tilespmem:s26], [sflag:$0x1] =	stream.indirect_vreg.gather [hbm4b:s5+s3], $0x80, v3, vm0, $0xb8;
	[tilespmem:$0x14180] =	vst v63  }
0xf5: {  	v3 =	vld [tilespmem:s7+$0x40];
	_ =	sdelay $0x4  }
0xf6: {  	v58 =	vshll.u32 v3, $0x2  }
0xf7: {  	v3 =	vand.u32 $0x7, v3;
	v4 =	vand.u32 $0xFFFFFFE0, v58  }
0xf8: {  	v3 =	vor.u32 v3, v4  }
0xf9: {  	v4 =	vperm.xlane v3, v0;
	_ =	sdelay $0x1  }
0xfa: {  	v4 =	vadd.s32 v1, v4;
	_ =	sdelay $0x1  }
0xfb: {  	v3 =	vperm.xlane v3, v2;
	_ =	sdelay $0x1  }
0xfc: {  	v3 =	vadd.s32 v1, v3  }
0xfd: {  	[tilespmem:s28], [sflag:$0x1] =	stream.indirect_vreg.gather [hbm4b:s2+s3], $0x80, v4, vm0, $0xb8;
	[tilespmem:$0x14180] =	vst v63  }
0xfe: {  	_ = 	snop  }
0xff: {  	[tilespmem:s9], [sflag:$0x1] =	stream.indirect_vreg.gather [hbm4b:s5+s3], $0x80, v4, vm0, $0xb8;
	[tilespmem:$0x14180] =	vst v63  }
0x100: {  	s11 =	simm.s32 $0x9180  }
0x101: {  	[tilespmem:s11], [sflag:$0x1] =	stream.indirect_vreg.gather [hbm4b:s2+s3], $0x80, v3, vm0, $0xb8;
	[tilespmem:$0x14180] =	vst v63  }
0x102: {  	s9 =	simm.s32 $0x2  }
0x103: {  	[tilespmem:s29], [sflag:$0x1] =	stream.indirect_vreg.gather [hbm4b:s5+s3], $0x80, v3, vm0, $0xb8;
	[tilespmem:$0x14180] =	vst v63  }
0x104: {  	_ =	swait.ge [sflag:s9], $0xA000  }
0x105: {  	[sflag:s9] =	ssyncset.done $0x0  }
0x106: {  	s0 =	rddreg [dreg:$0x6];
	[sflag:s9] =	ssyncadd.s32 $0xFFFF6000  }
0x107: {  	[hbm4b:s0+s3] =	stream.linear.scatter [tilespmem:s31], [sflag:$0x4], $0xA000, $0x38;
	[tilespmem:$0x14180] =	vst v63  }
0x108: {  	_ =	swait.ge [sflag:s10], $0xA000  }
0x109: {  	[sflag:s10] =	ssyncset.done $0x0  }
0x10a: {  	[sflag:s10] =	ssyncadd.s32 $0xFFFF6000  }
0x10b: {  	v3 =	vld [tilespmem:$0xF0];
	_ =	sdelay $0x4  }
0x10c: {  	v59 =	vshll.u32 v3, $0x2  }
0x10d: {  	v3 =	vand.u32 $0x7, v3;
	v4 =	vand.u32 $0xFFFFFFE0, v59  }
0x10e: {  	v3 =	vor.u32 v3, v4  }
0x10f: {  	v4 =	vperm.xlane v3, v0;
	_ =	sdelay $0x1  }
0x110: {  	v4 =	vadd.s32 v1, v4;
	_ =	sdelay $0x1  }
0x111: {  	v3 =	vperm.xlane v3, v2;
	_ =	sdelay $0x1  }
0x112: {  	v3 =	vadd.s32 v1, v3  }
0x113: {  	[tilespmem:s31], [sflag:$0x2] =	stream.indirect_vreg.gather [hbm4b:s2+s3], $0x80, v4, vm0, $0xb8;
	[tilespmem:$0x14180] =	vst v63  }
0x114: {  	s11 =	simm.s32 $0xA980  }
0x115: {  	[tilespmem:s11], [sflag:$0x2] =	stream.indirect_vreg.gather [hbm4b:s5+s3], $0x80, v4, vm0, $0xb8;
	[tilespmem:$0x14180] =	vst v63  }
0x116: {  	s11 =	simm.s32 $0xB180  }
0x117: {  	[tilespmem:s11], [sflag:$0x2] =	stream.indirect_vreg.gather [hbm4b:s2+s3], $0x80, v3, vm0, $0xb8;
	[tilespmem:$0x14180] =	vst v63  }
0x118: {  	s11 =	simm.s32 $0xB980  }
0x119: {  	[tilespmem:s11], [sflag:$0x2] =	stream.indirect_vreg.gather [hbm4b:s5+s3], $0x80, v3, vm0, $0xb8;
	[tilespmem:$0x14180] =	vst v63  }
0x11a: {  	v3 =	vld [tilespmem:$0x100];
	_ =	sdelay $0x4  }
0x11b: {  	v60 =	vshll.u32 v3, $0x2  }
0x11c: {  	v3 =	vand.u32 $0x7, v3;
	v4 =	vand.u32 $0xFFFFFFE0, v60  }
0x11d: {  	v3 =	vor.u32 v3, v4  }
0x11e: {  	v4 =	vperm.xlane v3, v0;
	_ =	sdelay $0x1  }
0x11f: {  	v4 =	vadd.s32 v1, v4;
	_ =	sdelay $0x1  }
0x120: {  	v3 =	vperm.xlane v3, v2;
	_ =	sdelay $0x1  }
0x121: {  	s11 =	simm.s32 $0xC180;
	v3 =	vadd.s32 v1, v3  }
0x122: {  	[tilespmem:s11], [sflag:$0x2] =	stream.indirect_vreg.gather [hbm4b:s2+s3], $0x80, v4, vm0, $0xb8;
	[tilespmem:$0x14180] =	vst v63  }
0x123: {  	s11 =	simm.s32 $0xC980  }
0x124: {  	[tilespmem:s11], [sflag:$0x2] =	stream.indirect_vreg.gather [hbm4b:s5+s3], $0x80, v4, vm0, $0xb8;
	[tilespmem:$0x14180] =	vst v63  }
0x125: {  	s11 =	simm.s32 $0xD180  }
0x126: {  	[tilespmem:s11], [sflag:$0x2] =	stream.indirect_vreg.gather [hbm4b:s2+s3], $0x80, v3, vm0, $0xb8;
	[tilespmem:$0x14180] =	vst v63  }
0x127: {  	s11 =	simm.s32 $0xD980  }
0x128: {  	[tilespmem:s11], [sflag:$0x2] =	stream.indirect_vreg.gather [hbm4b:s5+s3], $0x80, v3, vm0, $0xb8;
	[tilespmem:$0x14180] =	vst v63  }
0x129: {  	v3 =	vld [tilespmem:$0x110];
	_ =	sdelay $0x4  }
0x12a: {  	v61 =	vshll.u32 v3, $0x2  }
0x12b: {  	v3 =	vand.u32 $0x7, v3;
	v4 =	vand.u32 $0xFFFFFFE0, v61  }
0x12c: {  	v3 =	vor.u32 v3, v4  }
0x12d: {  	v4 =	vperm.xlane v3, v0;
	_ =	sdelay $0x1  }
0x12e: {  	v4 =	vadd.s32 v1, v4;
	_ =	sdelay $0x1  }
0x12f: {  	v3 =	vperm.xlane v3, v2;
	_ =	sdelay $0x1  }
0x130: {  	s11 =	simm.s32 $0xE180;
	v3 =	vadd.s32 v1, v3  }
0x131: {  	[tilespmem:s11], [sflag:$0x2] =	stream.indirect_vreg.gather [hbm4b:s2+s3], $0x80, v4, vm0, $0xb8;
	[tilespmem:$0x14180] =	vst v63  }
0x132: {  	s11 =	simm.s32 $0xE980  }
0x133: {  	[tilespmem:s11], [sflag:$0x2] =	stream.indirect_vreg.gather [hbm4b:s5+s3], $0x80, v4, vm0, $0xb8;
	[tilespmem:$0x14180] =	vst v63  }
0x134: {  	s11 =	simm.s32 $0xF180  }
0x135: {  	[tilespmem:s11], [sflag:$0x2] =	stream.indirect_vreg.gather [hbm4b:s2+s3], $0x80, v3, vm0, $0xb8;
	[tilespmem:$0x14180] =	vst v63  }
0x136: {  	s11 =	simm.s32 $0xF980  }
0x137: {  	[tilespmem:s11], [sflag:$0x2] =	stream.indirect_vreg.gather [hbm4b:s5+s3], $0x80, v3, vm0, $0xb8;
	[tilespmem:$0x14180] =	vst v63  }
0x138: {  	v3 =	vld [tilespmem:$0x120];
	_ =	sdelay $0x4  }
0x139: {  	v62 =	vshll.u32 v3, $0x2  }
0x13a: {  	v3 =	vand.u32 $0x7, v3;
	v4 =	vand.u32 $0xFFFFFFE0, v62  }
0x13b: {  	v3 =	vor.u32 v3, v4  }
0x13c: {  	v4 =	vperm.xlane v3, v0;
	_ =	sdelay $0x1  }
0x13d: {  	v4 =	vadd.s32 v1, v4;
	_ =	sdelay $0x1  }
0x13e: {  	v3 =	vperm.xlane v3, v2;
	_ =	sdelay $0x1  }
0x13f: {  	s11 =	simm.s32 $0x10180;
	v3 =	vadd.s32 v1, v3  }
0x140: {  	[tilespmem:s11], [sflag:$0x2] =	stream.indirect_vreg.gather [hbm4b:s2+s3], $0x80, v4, vm0, $0xb8;
	[tilespmem:$0x14180] =	vst v63  }
0x141: {  	s11 =	simm.s32 $0x10980  }
0x142: {  	[tilespmem:s11], [sflag:$0x2] =	stream.indirect_vreg.gather [hbm4b:s5+s3], $0x80, v4, vm0, $0xb8;
	[tilespmem:$0x14180] =	vst v63  }
0x143: {  	s11 =	simm.s32 $0x11180  }
0x144: {  	[tilespmem:s11], [sflag:$0x2] =	stream.indirect_vreg.gather [hbm4b:s2+s3], $0x80, v3, vm0, $0xb8;
	[tilespmem:$0x14180] =	vst v63  }
0x145: {  	s11 =	simm.s32 $0x11980  }
0x146: {  	[tilespmem:s11], [sflag:$0x2] =	stream.indirect_vreg.gather [hbm4b:s5+s3], $0x80, v3, vm0, $0xb8;
	[tilespmem:$0x14180] =	vst v63  }
0x147: {  	v3 =	vld [tilespmem:$0x130];
	_ =	sdelay $0x4  }
0x148: {  	v63 =	vshll.u32 v3, $0x2  }
0x149: {  	v3 =	vand.u32 $0x7, v3;
	v4 =	vand.u32 $0xFFFFFFE0, v63  }
0x14a: {  	v3 =	vor.u32 v3, v4  }
0x14b: {  	v4 =	vperm.xlane v3, v0;
	_ =	sdelay $0x1  }
0x14c: {  	v4 =	vadd.s32 v1, v4;
	_ =	sdelay $0x1  }
0x14d: {  	v3 =	vperm.xlane v3, v2;
	_ =	sdelay $0x1  }
0x14e: {  	s11 =	simm.s32 $0x12180;
	v3 =	vadd.s32 v1, v3  }
0x14f: {  	[tilespmem:s11], [sflag:$0x2] =	stream.indirect_vreg.gather [hbm4b:s2+s3], $0x80, v4, vm0, $0xb8;
	[tilespmem:$0x14180] =	vst v63  }
0x150: {  	s11 =	simm.s32 $0x12980  }
0x151: {  	[tilespmem:s11], [sflag:$0x2] =	stream.indirect_vreg.gather [hbm4b:s5+s3], $0x80, v4, vm0, $0xb8;
	[tilespmem:$0x14180] =	vst v63  }
0x152: {  	s11 =	simm.s32 $0x13180  }
0x153: {  	[tilespmem:s11], [sflag:$0x2] =	stream.indirect_vreg.gather [hbm4b:s2+s3], $0x80, v3, vm0, $0xb8;
	[tilespmem:$0x14180] =	vst v63  }
0x154: {  	s11 =	simm.s32 $0x13980  }
0x155: {  	[tilespmem:s11], [sflag:$0x2] =	stream.indirect_vreg.gather [hbm4b:s5+s3], $0x80, v3, vm0, $0xb8;
	[tilespmem:$0x14180] =	vst v63  }
0x156: {  	_ =	swait.ge [sflag:s30], $0xA000  }
0x157: {  	[sflag:s30] =	ssyncset.done $0x0  }
0x158: {  	s0 =	simm.s32 $0x180;
	s11 =	rddreg [dreg:$0x7];
	[sflag:s30] =	ssyncadd.s32 $0xFFFF6000  }
0x159: {  	[hbm4b:s11+s3] =	stream.linear.scatter [tilespmem:s0], [sflag:$0x3], $0xA000, $0x38;
	[tilespmem:$0x14180] =	vst v63  }
0x15a: {  	_ =	swait.ge [sflag:s9], $0xA000  }
0x15b: {  	[sflag:s9] =	ssyncset.done $0x0  }
0x15c: {  	s0 =	rddreg [dreg:$0x8];
	[sflag:s9] =	ssyncadd.s32 $0xFFFF6000  }
0x15d: {  	[hbm4b:s0+s3] =	stream.linear.scatter [tilespmem:s31], [sflag:$0x4], $0xA000, $0x38;
	[tilespmem:$0x14180] =	vst v63  }
0x15e: {  	p0 =	sne.s32 s8, $0x1;
	_ =	swait.ge [sflag:s1], $0xA000  }
.Ltmp0:
0x15f: {  	[sflag:s1] =	ssyncset.done $0x0;
	(pc) =	sbr.rel @p0 .LBB2_1-.Ltmp0, $4  }
0x160: {  	[sflag:s1] =	ssyncadd.s32 $0xFFFF6000  }
0x161: {  	_ =	swait.ge [sflag:s10], $0xA000  }
0x162: {  	[sflag:s10] =	ssyncset.done $0x0  }
0x163: {  	s8 =	sadd.s32 $0xFFFFFFFF, s8;
	[sflag:s10] =	ssyncadd.s32 $0xFFFF6000  }
0x164: {  	_ =	sfence.sel $0x180000  }
0x165: {  	[bflag:$0x0] =	sbarrier.arrive $0xFFFF  }
0x166: {  	_ =	strace $0x9000004A  }
0x167: {  	s0 =	stileid.u32;
	[bflag:$0x2] =	sbarrier.arrive $0xFFFF  }
0x168: {  	p0 =	sne.s32 s0, $0x0;
	s0 =	rddreg [dreg:$0x3]  }
0x169: {  	s0 =	sadd.s32 @!p0 $0x100000, s0  }
0x16a: {  	[sflag:s0] =	ssyncadd.tile.s32 @!p0 $0x1;
	_ =	shalt  }
.Lfunc_end2:
_tile_overlayer_lowered:
.L_overlay_start_2:
0x16b: {  	(tag) =	ssettag $0x2  }
0x16c: {  	s0 =	rddreg [dreg:$0x0];
	s2 =	stileid.u32  }
0x16d: {  	s1 =	rddreg [dreg:$0x1];
	p0 =	sne.s32 s2, $0x0  }
0x16e: {  	s3 =	rddreg [dreg:$0x2];
	[bflag:$0x3] =	sbarrier.arrive $0xFFFF;
	s2 =	simm.s32 @!p0 $0x1C05  }
0x16f: {  	[timem:s3], [sflag:s2] =	dma.local @!p0 [hbm:s0], s1  }
0x170: {  	s0 =	simm.s32 @!p0 $0x5  }
0x171: {  	_ =	swait.ge @!p0 [sflag:s0], s1  }
0x172: {  	s1 =	ssub.s32 @!p0 $0x0, s1;
	[sflag:s0] =	ssyncset.done @!p0 $0x0  }
0x173: {  	[sflag:s0] =	ssyncadd.s32 @!p0 s1  }
0x174: {  	[bflag:$0x3] =	sbarrier.arrive $0xFFFF  }
0x175: {  	_ =	shalt  }

// kernel: kernel.7.cloned.1.call-start
scs
__scs_entry_jumppad:
0x0: {  	(pc) =	sbr.rel $0x88, $3  }
0x1: {  	(tag) =	ssettag $0x0;
	lr =	simm.s32 $0x1  }
0x2: {  	[smem:$0x3F9A] =	sst lr;
	_ =	strace $0xD0000000  }
0x3: {  	_ = 	snop  }
0x4: {  	_ = 	snop  }
0x5: {  	_ = 	snop  }
0x6: {  	_ = 	snop  }
0x7: {  	_ = 	snop  }
__scs_overlays_trampoline_lowered:
0x8: {  	[smem:$0x3FA9] =	sst s0  }
0x9: {  	[smem:$0x3FAA] =	sst s1  }
0xa: {  	[smem:$0x3FAB] =	sst s2  }
0xb: {  	[smem:$0x3FAC] =	sst s3  }
0xc: {  	[smem:$0x3FAD] =	sst s4  }
0xd: {  	[smem:$0x3FAE] =	sst s5  }
0xe: {  	[smem:$0x3FAF] =	sst s6  }
0xf: {  	[smem:$0x3FB0] =	sst s7  }
0x10: {  	[smem:$0x3FB1] =	sst s8  }
0x11: {  	[smem:$0x3FB2] =	sst s9;
	s0 =	simm.s32 @!p0 $0x0  }
0x12: {  	s1 =	sld [smem:$0x3F98];
	s0 =	simm.s32 @p0 $0x1  }
0x13: {  	[smem:$0x3FB3] =	sst s0;
	s0 =	simm.s32 @!p1 $0x0  }
0x14: {  	s2 =	sld [smem:$0x3F97];
	s0 =	simm.s32 @p1 $0x1  }
0x15: {  	[smem:$0x3FB4] =	sst s0;
	s0 =	simm.s32 @!p2 $0x0  }
0x16: {  	s3 =	sld [smem:$0x3FDB];
	s0 =	simm.s32 @p2 $0x1  }
0x17: {  	s4 =	simm.s32 $0x1BF5;
	[smem:$0x3FB6] =	sst s0  }
0x18: {  	s0 =	sld [smem:$0x3F99];
	_ =	swait.ge [sflag:s4], $0x0  }
0x19: {  	s7 =	sld [smem:$0x3F9A]  }
0x1a: {  	s8 =	sadd.s32 $0xFFFFE003, lr  }
0x1b: {  	s9 =	sadd.s32 $0xFFFFFEF7, lr;
	s5 =	simm.s32 $0xFFFFFFFF;
	p2 =	slt.u32 s8, $0xFFFFF086  }
0x1c: {  	p1 =	slt.u32 s9, $0xF7A;
	s5 =	simm.s32 @!p2 $0x0  }
0x1d: {  	s5 =	simm.s32 @p1 $0x1;
	p0 =	seq.s32 s7, s2  }
0x1e: {  	s7 =	smul.u32 @!p0 $0xF7A, s2;
	p2 =	seq.s32 @!p0 s5, $0x0  }
0x1f: {  	s9 =	smul.u32 $0xF7A, s1;
	s8 =	simm.s32 @!p0 $0x1BF5;
	p2 =	por !p2, p0  }
0x20: {  	[sflag:s8] =	ssyncset.s32 @!p0 $0xFFFFF086;
	s6 =	sadd.s32 @!p0 s3, s7;
	s7 =	simm.s32 @!p0 $0x108  }
0x21: {  	s3 =	sadd.s32 s3, s9;
	s6 =	sadd.s32 @!p0 $0x88, s6;
	s7 =	simm.s32 @p2 $0x1082  }
0x22: {  	[simem:s7], [sflag:s8] =	dma.local @!p0 [hbm:s6], $0xF7A  }
0x23: {  	s9 =	sor.u32 $0xD0000000, s2;
	s6 =	simm.s32 $0x108;
	_ =	swait.ge @!p0 [sflag:s8], $0x0  }
0x24: {  	s3 =	sadd.s32 $0x88, s3;
	s6 =	simm.s32 @!p1 $0x1082;
	[sflag:s4] =	ssyncset.s32 $0xFFFFF086  }
0x25: {  	[simem:s6], [sflag:s4] =	dma.local [hbm:s3], $0xF7A  }
0x26: {  	[smem:$0x3F9A] =	sst s1;
	(tag) =	ssettag s2;
	_ =	strace s9  }
0x27: {  	s1 =	sld [smem:$0x3FAA]  }
0x28: {  	s2 =	sld [smem:$0x3FAB]  }
0x29: {  	s4 =	sld [smem:$0x3FAD]  }
0x2a: {  	p0 =	seq.s32 s5, $0x0;
	s5 =	sld [smem:$0x3FAE]  }
0x2b: {  	s6 =	sld [smem:$0x3FAF]  }
0x2c: {  	s7 =	sld [smem:$0x3FB0]  }
0x2d: {  	s3 =	simm.s32 $0x108;
	s8 =	sld [smem:$0x3FB1]  }
0x2e: {  	s3 =	simm.s32 @!p0 $0x1082;
	s9 =	sld [smem:$0x3FB2]  }
0x2f: {  	lr =	sadd.s32 s0, s3;
	s0 =	sld [smem:$0x3FA9]  }
0x30: {  	s3 =	sld [smem:$0x3FAC]  }
0x31: {  	[smem:$0x3FB5] =	sst s10  }
0x32: {  	s10 =	sld [smem:$0x3FB3];
	_ =	sdelay $0x3  }
0x33: {  	p0 =	seq.s32 s10, $0x1;
	s10 =	sld [smem:$0x3FB5];
	_ =	sdelay $0x3  }
0x34: {  	[smem:$0x3FB5] =	sst s10  }
0x35: {  	s10 =	sld [smem:$0x3FB4];
	_ =	sdelay $0x3  }
0x36: {  	p1 =	seq.s32 s10, $0x1;
	s10 =	sld [smem:$0x3FB5];
	_ =	sdelay $0x3  }
0x37: {  	[smem:$0x3FB5] =	sst s10  }
0x38: {  	s10 =	sld [smem:$0x3FB6]  }
0x39: {  	_ = 	snop;
	(pc) =	sbr.ind lr, $3  }
0x3a: {  	_ = 	snop  }
0x3b: {  	_ = 	snop  }
0x3c: {  	p2 =	seq.s32 s10, $0x1;
	s10 =	sld [smem:$0x3FB5]  }
0x3d: {  	_ =	shalt  }
0x3e: {  	_ =	shalt  }
0x3f: {  	_ =	shalt  }
0x40: {  	_ =	shalt  }
0x41: {  	_ =	shalt  }
0x42: {  	_ =	shalt  }
0x43: {  	_ =	shalt  }
0x44: {  	_ =	shalt  }
0x45: {  	_ =	shalt  }
0x46: {  	_ =	shalt  }
0x47: {  	_ =	shalt  }
0x48: {  	_ =	shalt  }
0x49: {  	_ =	shalt  }
0x4a: {  	_ =	shalt  }
0x4b: {  	_ =	shalt  }
0x4c: {  	_ =	shalt  }
0x4d: {  	_ =	shalt  }
0x4e: {  	_ =	shalt  }
0x4f: {  	_ =	shalt  }
0x50: {  	_ =	shalt  }
0x51: {  	_ =	shalt  }
0x52: {  	_ =	shalt  }
0x53: {  	_ =	shalt  }
0x54: {  	_ =	shalt  }
0x55: {  	_ =	shalt  }
0x56: {  	_ =	shalt  }
0x57: {  	_ =	shalt  }
0x58: {  	_ =	shalt  }
0x59: {  	_ =	shalt  }
0x5a: {  	_ =	shalt  }
0x5b: {  	_ =	shalt  }
0x5c: {  	_ =	shalt  }
0x5d: {  	_ =	shalt  }
0x5e: {  	_ =	shalt  }
0x5f: {  	_ =	shalt  }
0x60: {  	_ =	shalt  }
0x61: {  	_ =	shalt  }
0x62: {  	_ =	shalt  }
0x63: {  	_ =	shalt  }
0x64: {  	_ =	shalt  }
0x65: {  	_ =	shalt  }
0x66: {  	_ =	shalt  }
0x67: {  	_ =	shalt  }
0x68: {  	_ =	shalt  }
0x69: {  	_ =	shalt  }
0x6a: {  	_ =	shalt  }
0x6b: {  	_ =	shalt  }
0x6c: {  	_ =	shalt  }
0x6d: {  	_ =	shalt  }
0x6e: {  	_ =	shalt  }
0x6f: {  	_ =	shalt  }
0x70: {  	_ =	shalt  }
0x71: {  	_ =	shalt  }
0x72: {  	_ =	shalt  }
0x73: {  	_ =	shalt  }
0x74: {  	_ =	shalt  }
0x75: {  	_ =	shalt  }
0x76: {  	_ =	shalt  }
0x77: {  	_ =	shalt  }
0x78: {  	_ =	shalt  }
0x79: {  	_ =	shalt  }
0x7a: {  	_ =	shalt  }
0x7b: {  	_ =	shalt  }
0x7c: {  	_ =	shalt  }
0x7d: {  	_ =	shalt  }
0x7e: {  	_ =	shalt  }
0x7f: {  	_ =	shalt  }
0x80: {  	_ =	shalt  }
0x81: {  	_ =	shalt  }
0x82: {  	_ =	shalt  }
0x83: {  	_ =	shalt  }
0x84: {  	_ =	shalt  }
0x85: {  	_ =	shalt  }
0x86: {  	_ =	shalt  }
0x87: {  	_ =	shalt  }
.Lfunc_end0:
.L_simem_size_0:
called_computation_lowered:
.L_overlay_start_0:
0x88: {  	s2 =	sld [smem:$0x3FD9]  }
0x89: {  	s3 =	sld [smem:$0x3FFE];
	_ =	sdelay $0x1  }
0x8a: {  	s1 =	srdreg.scid  }
0x8b: {  	s0 =	sand.u32 $0x1, s1  }
0x8c: {  	s14 =	sshll.u32 s0, $0xA;
	s2 =	sadd.s32 s3, s2  }
0x8d: {  	s2 =	sadd.s32 s2, s14  }
0x8e: {  	[smem:$0x3FC1] =	sst s2  }
0x8f: {  	_ = 	snop  }
0x90: {  	s2 =	sld [smem:$0x3FD0];
	_ =	sdelay $0x2  }
0x91: {  	s4 =	simm.s32 $0xB;
	s5 =	simm.s32 $0x10;
	s15 =	sld [smem:$0x3FC8]  }
0x92: {  	[smem:s5], [sflag:s4] =	dma.local [hbm:s2], $0x1  }
0x93: {  	_ =	swait.eq [sflag:s4], $0x1  }
0x94: {  	[sflag:s4] =	ssyncset.done $0x0  }
0x95: {  	[sflag:s4] =	ssyncadd.s32 $0xFFFFFFFF  }
0x96: {  	s16 =	sld [smem:$0x15];
	(tm) =	ssettm $0x1  }
0x97: {  	s17 =	sld [smem:$0x3FFB];
	_ =	sdelay $0x3  }
0x98: {  	_ =	strace s17  }
0x99: {  	s4 =	sld [smem:$0x3FFC];
	_ =	sdelay $0x3  }
0x9a: {  	_ =	strace s4  }
0x9b: {  	s4 =	sld [smem:$0x3FFD];
	_ =	sdelay $0x3  }
0x9c: {  	_ =	strace s4  }
0x9d: {  	_ =	strace $0x8FFFFFFF  }
0x9e: {  	s18 =	sld [smem:$0x3FDB];
	_ =	sdelay $0x1  }
0x9f: {  	s19 =	simm.s32 $_scs_section_size  }
0xa0: {  	s6 =	simm.s32 $_size__tile_overlayer_lowered;
	s7 =	simm.s32 $_tile_overlayer_lowered  }
0xa1: {  	s22 =	simm.s32 $0x1BFF;
	s21 =	sshll.u32 s7, $0x1;
	s4 =	sadd.s32 s19, s18  }
0xa2: {  	s8 =	simm.s32 $0x0;
	s20 =	sshll.u32 s6, $0x1;
	s6 =	sadd.s32 s21, s4  }
0xa3: {  	[timem:s8], [sflag:s22] =	dma.local [hbm:s6], s20  }
0xa4: {  	_ =	swait.ge [sflag:s22], s20  }
0xa5: {  	s5 =	ssub.s32 $0x0, s20;
	[sflag:s22] =	ssyncset.done $0x0  }
0xa6: {  	[sflag:s22] =	ssyncadd.s32 s5;
	_ =	sdelay $0x1  }
0xa7: {  	s23 =	simm.s32 $0x1B8B  }
0xa8: {  	_ =	swait.ge [sflag:s23], $0x1  }
0xa9: {  	[sflag:s23] =	ssyncset.done $0x0  }
0xaa: {  	s25 =	simm.s32 $0x1B8E;
	s24 =	sld [smem:$0x3FFE];
	[sflag:s23] =	ssyncadd.s32 $0xFFFFFFFF  }
0xab: {  	s26 =	simm.s32 $execute0_lowered;
	[smem:$0x3FD2] =	sst s25  }
0xac: {  	s6 =	sshll.u32 s26, $0x1;
	_ =	strace $0x80000046;
	[dreg:$0x1] =	wrdreg $0xFFFFFFFF  }
0xad: {  	s28 =	simm.s32 $_size_execute0_lowered;
	s4 =	sadd.s32 s4, s6;
	[dreg:$0x0] =	wrdreg $0x0  }
0xae: {  	s6 =	sshll.u32 s28, $0x1;
	[dreg:$0x2] =	wrdreg s4  }
0xaf: {  	[dreg:$0x3] =	wrdreg s6  }
0xb0: {  	[dreg:$0x4] =	wrdreg $0xC0  }
0xb1: {  	_ =	task [dreg:s8], $0x5FFFF  }
0xb2: {  	[dreg:$0x1] =	wrdreg $0xFFFFFFFF  }
0xb3: {  	[dreg:$0x0] =	wrdreg $0x60  }
0xb4: {  	[dreg:$0x2] =	wrdreg s24  }
0xb5: {  	[dreg:$0x3] =	wrdreg s15  }
0xb6: {  	[dreg:$0x4] =	wrdreg s16  }
0xb7: {  	[dreg:$0x5] =	wrdreg $0x9  }
0xb8: {  	_ =	task.clear_ibuf [dreg:s8], $0x6FFFF;
	_ =	strace $0x90000046  }
0xb9: {  	s29 =	simm.s32 $0x9;
	_ =	strace $0x80000048  }
0xba: {  	_ =	swait.ge [sflag:s29], $0x1  }
0xbb: {  	[sflag:s29] =	ssyncadd.s32 $0xFFFFFFFF  }
0xbc: {  	_ =	strace $0x90000048  }
0xbd: {  	_ =	sfence  }
0xbe: {  	s30 =	sld [smem:$0x0];
	_ =	sdelay $0x2  }
0xbf: {  	s31 =	sshll.u32 s1, $0xD;
	s1 =	sshrl.u32 s1, $0x2  }
0xc0: {  	s3 =	sand.u32 $0x4000, s31;
	s1 =	sadd.s32 s1, s30  }
0xc1: {  	s0 =	sor.u32 s3, s0;
	s1 =	sshll.u32 s1, $0x11  }
0xc2: {  	s0 =	sor.u32 s1, s0  }
0xc3: {  	s0 =	sadd.s32 $0x8F2B, s0  }
0xc4: {  	[sflag:s0] =	ssyncadd.remote.s32 $0x1  }
0xc5: {  	_ =	sfence.sel $0xFFFF  }
0xc6: {  	[dreg:$0x0] =	wrdreg $0xFFFFFFFF;
	(pc) =	sbr.abs _section_cstart, $3  }
0xc7: {  	[dreg:$0x1] =	wrdreg $0xFFFFFFFF  }
0xc8: {  	_ =	task.clear_ibuf [dreg:s8], $0x2FFFF;
	_ =	strace $0x9FFFFFFF  }
0xc9: {  	(tm) =	ssettm $0x7FFFFFFF  }
tec
execute0_lowered:
.L_overlay_start_1:
0x0: {  	(tag) =	ssettag $0x1  }
0x1: {  	s6 =	rddreg [dreg:$0x0]  }
0x2: {  	s2 =	rddreg [dreg:$0x1]  }
0x3: {  	s3 =	rddreg [dreg:$0x2]  }
0x4: {  	s0 =	rddreg [dreg:$0x3]  }
0x5: {  	s5 =	srdreg.scid;
	s1 =	stileid.u32  }
0x6: {  	s4 =	simm.s32 $0x0;
	s12 =	simm.s32 $0x2;
	s13 =	simm.s32 $0x0  }
0x7: {  	s5 =	sand.u32 $0x1, s5;
	s7 =	sshll.u32 s1, $0x1;
	[smem:$0x7FF] =	sst s4  }
0x8: {  	s7 =	sor.u32 s5, s7;
	s8 =	ssub.s32 $0x2, s5;
	_ =	strace $0x80000047  }
0x9: {  	s5 =	sadd.s32 $0xE00, s6;
	s9 =	sshll.u32 s7, $0xD;
	s10 =	sshrl.u32 s8, $0x1  }
0xa: {  	s11 =	sshll.u32 s7, $0x8;
	s6 =	sadd.s32 s9, s6;
	s8 =	ssub.s32 s8, s10  }
0xb: {  	s9 =	simm.s32 $0x3;
	s10 =	simm.s32 $0x2780;
	v0 =	vmov s11;
	s11 =	simm.s32 $0x1  }
0xc: {  	v1 =	vimm.f32 $1.000000000e+00;
	s6 =	sadd.s32 $0x1400, s6;
	s7 =	smax.u32 s8, $0x1;
	s8 =	simm.s32 $0x4F00  }
.LBB2_1:
0xd: {  	[tilespmem:s8], [sflag:$0x3] =	stream.linear.gather [hbm4b:s3+s4], $0x10000, $0x38;
	[tilespmem:$0x14F00] =	vst v63  }
0xe: {  	_ =	swait.ge [sflag:s9], $0x10000  }
0xf: {  	[sflag:s9] =	ssyncset.done $0x0  }
0x10: {  	[sflag:s9] =	ssyncadd.s32 $0xFFFF0000  }
0x11: {  	[tilespmem:s4], [sflag:$0x1] =	stream.linear.gather [hbm4b:s5+s4], $0x2780, $0x38;
	[tilespmem:$0x14F00] =	vst v63  }
0x12: {  	_ = 	snop  }
0x13: {  	[tilespmem:s10], [sflag:$0x2] =	stream.linear.gather [hbm4b:s2+s4], $0x2780, $0x38;
	[tilespmem:$0x14F00] =	vst v63  }
0x14: {  	_ =	swait.ge [sflag:s11], $0x2780  }
0x15: {  	[sflag:s11] =	ssyncset.done $0x0  }
0x16: {  	[sflag:s11] =	ssyncadd.s32 $0xFFFFD880  }
0x17: {  	_ =	swait.ge [sflag:s12], $0x2780  }
0x18: {  	[sflag:s12] =	ssyncset.done $0x0  }
0x19: {  	s14 =	simm.s32 $0x0;
	[sflag:s12] =	ssyncadd.s32 $0xFFFFD880  }
.LBB2_2:
0x1a: {  	s15 =	sshra.s32 s14, $0x2  }
0x1b: {  	v2 =	vld [tilespmem:s15+$0x0];
	_ =	sdelay $0x1  }
0x1c: {  	v3 =	vld [tilespmem:s15+$0x2780];
	_ =	sdelay $0x2  }
0x1d: {  	v2 =	vsub.s32 v2, v0  }
0x1e: {  	vm0 =	vgt.s32 v2, $0x0  }
0x1f: {  	v5 =	vshll.u32 v3, $0x8;
	v3 =	vshll.u32 v3, $0x7;
	v4 =	vnsel vm0, $0x0, v2  }
0x20: {  	v5 =	vand.u32 $0xFFFFF800, v5;
	v3 =	vand.u32 $0x380, v3;
	v4 =	vmin.u32 v4, $0xFF  }
0x21: {  	v3 =	vor.u32 v5, v3;
	v51 =	vand.u32 $0x7F, v4;
	v4 =	vshll.u32 v4, $0x3  }
0x22: {  	vm7 =	vlt.u32 v2, $0x100;
	v2 =	vand.u32 $0x400, v4;
	v3 =	vor.u32 v51, v3  }
0x23: {  	v2 =	vor.u32 v2, v3;
	_ =	sdelay $0x4  }
0x24: {  	[tilespmem:v2+s8+$0x0] =	vst.idx.add.f32.msk vm7, v1  }
0x25: {  	v2 =	vld [tilespmem:s15+$0x10];
	_ =	sdelay $0x1  }
0x26: {  	v3 =	vld [tilespmem:s15+$0x2790];
	_ =	sdelay $0x2  }
0x27: {  	v2 =	vsub.s32 v2, v0  }
0x28: {  	vm8 =	vgt.s32 v2, $0x0  }
0x29: {  	v53 =	vshll.u32 v3, $0x8;
	v3 =	vshll.u32 v3, $0x7;
	v52 =	vnsel vm8, $0x0, v2  }
0x2a: {  	v5 =	vand.u32 $0xFFFFF800, v53;
	v3 =	vand.u32 $0x380, v3;
	v4 =	vmin.u32 v52, $0xFF  }
0x2b: {  	v3 =	vor.u32 v5, v3;
	v54 =	vand.u32 $0x7F, v4;
	v4 =	vshll.u32 v4, $0x3  }
0x2c: {  	vm9 =	vlt.u32 v2, $0x100;
	v2 =	vand.u32 $0x400, v4;
	v3 =	vor.u32 v54, v3  }
0x2d: {  	v2 =	vor.u32 v2, v3;
	_ =	sdelay $0x4  }
0x2e: {  	[tilespmem:v2+s8+$0x0] =	vst.idx.add.f32.msk vm9, v1  }
0x2f: {  	v2 =	vld [tilespmem:s15+$0x20];
	_ =	sdelay $0x1  }
0x30: {  	v3 =	vld [tilespmem:s15+$0x27A0];
	_ =	sdelay $0x2  }
0x31: {  	v2 =	vsub.s32 v2, v0  }
0x32: {  	vm10 =	vgt.s32 v2, $0x0  }
0x33: {  	v56 =	vshll.u32 v3, $0x8;
	v3 =	vshll.u32 v3, $0x7;
	v55 =	vnsel vm10, $0x0, v2  }
0x34: {  	v5 =	vand.u32 $0xFFFFF800, v56;
	v3 =	vand.u32 $0x380, v3;
	v4 =	vmin.u32 v55, $0xFF  }
0x35: {  	v3 =	vor.u32 v5, v3;
	v57 =	vand.u32 $0x7F, v4;
	v4 =	vshll.u32 v4, $0x3  }
0x36: {  	vm11 =	vlt.u32 v2, $0x100;
	v2 =	vand.u32 $0x400, v4;
	v3 =	vor.u32 v57, v3  }
0x37: {  	v2 =	vor.u32 v2, v3;
	_ =	sdelay $0x4  }
0x38: {  	[tilespmem:v2+s8+$0x0] =	vst.idx.add.f32.msk vm11, v1  }
0x39: {  	v2 =	vld [tilespmem:s15+$0x30];
	_ =	sdelay $0x1  }
0x3a: {  	v3 =	vld [tilespmem:s15+$0x27B0];
	_ =	sdelay $0x2  }
0x3b: {  	v2 =	vsub.s32 v2, v0  }
0x3c: {  	vm12 =	vgt.s32 v2, $0x0  }
0x3d: {  	v59 =	vshll.u32 v3, $0x8;
	v3 =	vshll.u32 v3, $0x7;
	v58 =	vnsel vm12, $0x0, v2  }
0x3e: {  	v5 =	vand.u32 $0xFFFFF800, v59;
	v3 =	vand.u32 $0x380, v3;
	v4 =	vmin.u32 v58, $0xFF  }
0x3f: {  	v3 =	vor.u32 v5, v3;
	v60 =	vand.u32 $0x7F, v4;
	v4 =	vshll.u32 v4, $0x3  }
0x40: {  	vm13 =	vlt.u32 v2, $0x100;
	v2 =	vand.u32 $0x400, v4;
	v3 =	vor.u32 v60, v3  }
0x41: {  	v2 =	vor.u32 v2, v3;
	_ =	sdelay $0x4  }
0x42: {  	[tilespmem:v2+s8+$0x0] =	vst.idx.add.f32.msk vm13, v1  }
0x43: {  	v2 =	vld [tilespmem:s15+$0x40];
	_ =	sdelay $0x1  }
0x44: {  	v3 =	vld [tilespmem:s15+$0x27C0];
	_ =	sdelay $0x2  }
0x45: {  	v2 =	vsub.s32 v2, v0  }
0x46: {  	vm14 =	vgt.s32 v2, $0x0  }
0x47: {  	v62 =	vshll.u32 v3, $0x8;
	v3 =	vshll.u32 v3, $0x7;
	v61 =	vnsel vm14, $0x0, v2  }
0x48: {  	v5 =	vand.u32 $0xFFFFF800, v62;
	v3 =	vand.u32 $0x380, v3;
	v4 =	vmin.u32 v61, $0xFF  }
0x49: {  	v3 =	vor.u32 v5, v3;
	v63 =	vand.u32 $0x7F, v4;
	v4 =	vshll.u32 v4, $0x3  }
0x4a: {  	vm15 =	vlt.u32 v2, $0x100;
	v2 =	vand.u32 $0x400, v4;
	v3 =	vor.u32 v63, v3  }
0x4b: {  	p0 =	sne.s32 s14, $0x9B00;
	v2 =	vor.u32 v2, v3  }
.Ltmp0:
0x4c: {  	_ = 	snop;
	(pc) =	sbr.rel @p0 .LBB2_2-.Ltmp0, $2  }
0x4d: {  	_ =	sdelay $0x2  }
0x4e: {  	s14 =	sadd.s32 $0x140, s14;
	[tilespmem:v2+s8+$0x0] =	vst.idx.add.f32.msk vm15, v1  }
0x4f: {  	s13 =	sadd.s32 $0x1, s13  }
0x50: {  	p0 =	sne.s32 s13, s7  }
.Ltmp1:
0x51: {  	_ = 	snop;
	(pc) =	sbr.rel @p0 .LBB2_1-.Ltmp1, $4  }
0x52: {  	[hbm4b:s6+s4] =	stream.linear.scatter [tilespmem:s8], [sflag:$0x3], $0x10000, $0x38;
	[tilespmem:$0x14F00] =	vst v63  }
0x53: {  	_ =	swait.ge [sflag:s9], $0x10000  }
0x54: {  	[sflag:s9] =	ssyncset.done $0x0  }
0x55: {  	[sflag:s9] =	ssyncadd.s32 $0xFFFF0000  }
0x56: {  	_ =	sfence.sel $0x180000  }
0x57: {  	[bflag:$0x0] =	sbarrier.arrive $0xFFFF  }
0x58: {  	p0 =	sne.s32 s1, $0x0;
	_ =	strace $0x90000047  }
0x59: {  	s0 =	sadd.s32 @!p0 $0x100000, s0;
	[bflag:$0x2] =	sbarrier.arrive $0xFFFF  }
0x5a: {  	[sflag:s0] =	ssyncadd.tile.s32 @!p0 $0x1;
	_ =	shalt  }
.Lfunc_end2:
_tile_overlayer_lowered:
.L_overlay_start_2:
0x5b: {  	(tag) =	ssettag $0x2  }
0x5c: {  	s0 =	rddreg [dreg:$0x0];
	s2 =	stileid.u32  }
0x5d: {  	s1 =	rddreg [dreg:$0x1];
	p0 =	sne.s32 s2, $0x0  }
0x5e: {  	s3 =	rddreg [dreg:$0x2];
	[bflag:$0x3] =	sbarrier.arrive $0xFFFF;
	s2 =	simm.s32 @!p0 $0x1C03  }
0x5f: {  	[timem:s3], [sflag:s2] =	dma.local @!p0 [hbm:s0], s1  }
0x60: {  	s0 =	simm.s32 @!p0 $0x3  }
0x61: {  	_ =	swait.ge @!p0 [sflag:s0], s1  }
0x62: {  	s1 =	ssub.s32 @!p0 $0x0, s1;
	[sflag:s0] =	ssyncset.done @!p0 $0x0  }
0x63: {  	[sflag:s0] =	ssyncadd.s32 @!p0 s1  }
0x64: {  	[bflag:$0x3] =	sbarrier.arrive $0xFFFF  }
0x65: {  	_ =	shalt  }

</sc_bundles>
